<compile_context>
chip_gen: v7x
topology: tpu7x:2x2x1
jax: 0.10.2.dev20260603
libtpu: 0.0.44.dev20260713+nightly
codegen_flags: <defaults>
</compile_context>

<pallas_src>
import functools

import jax
import jax.numpy as jnp
from jax import lax
from jax.experimental import pallas as pl
from jax.experimental.pallas import tpu as pltpu
from jax.experimental.pallas import tpu_sc as plsc

PAD = 0
EPS = 1e-5
NC = 2
NS = 16
NW = NC * NS
PIECES = (1024, 512, 512)
TS = 512
CR = 64


def _make_sc_gather(B, S, SP, s0, V, D):
    N = B * SP
    TPW = N // NW
    WPB = NW // B
    NCH = 2 if TPW <= 2 * CR else TPW // CR
    CRW = TPW // NCH

    mesh = plsc.VectorSubcoreMesh(core_axis_name="c", subcore_axis_name="s")

    @functools.partial(
        pl.kernel,
        out_type=jax.ShapeDtypeStruct((N, D), jnp.float32),
        mesh=mesh,
        scratch_types=[
            pltpu.VMEM((TPW,), jnp.int32),
            pltpu.VMEM((CRW, D), jnp.float32),
            pltpu.VMEM((CRW, D), jnp.float32),
            pltpu.SemaphoreType.DMA,
            pltpu.SemaphoreType.DMA,
            pltpu.SemaphoreType.DMA,
            pltpu.SemaphoreType.DMA,
        ],
    )
    def sc_gather(idx_hbm, tab_hbm, out_hbm, idx_v, buf0, buf1,
                  sg0, sg1, so0, so1):
        wid = lax.axis_index("s") * NC + lax.axis_index("c")
        base = wid * TPW
        gbase = (wid // WPB) * S + s0 + (wid % WPB) * TPW
        pltpu.sync_copy(idx_hbm.at[pl.ds(gbase, TPW)], idx_v)

        bufs = (buf0, buf1)
        sgs = (sg0, sg1)
        sos = (so0, so1)
        gh = {}
        oh = {}
        gh[0] = pltpu.async_copy(
            tab_hbm.at[idx_v.at[pl.ds(0, CRW)]], bufs[0], sgs[0])
        for ci in range(NCH):
            if ci + 1 < NCH:
                if ci - 1 >= 0:
                    oh[ci - 1].wait()
                gh[ci + 1] = pltpu.async_copy(
                    tab_hbm.at[idx_v.at[pl.ds((ci + 1) * CRW, CRW)]],
                    bufs[(ci + 1) % 2], sgs[(ci + 1) % 2])
            gh[ci].wait()
            oh[ci] = pltpu.async_copy(
                bufs[ci % 2], out_hbm.at[pl.ds(base + ci * CRW, CRW)],
                sos[ci % 2])
        for ci in range(max(NCH - 2, 0), NCH):
            oh[ci].wait()

    return sc_gather


def _tc_ln_piece(B, S, D, NSEG, SP, s0, seq, lbl, tok_p, pos, seg, gam, bet,
                 carry):
    NSBP = SP // TS
    i0 = s0 // TS

    def body(seq_ref, lbl_ref, tok_ref, pos_ref, seg_ref, gam_ref, bet_ref,
             *rest):
        o_ref = rest[-1]
        b = pl.program_id(1)
        tok = tok_ref[...]
        pos_x = pos_ref[...]
        m = (seq_ref[b] != PAD).astype(jnp.float32)[:, None]
        lbf = lbl_ref[b].astype(jnp.float32)[:, None]
        seg0 = seg_ref[0:1, :]
        dseg = seg_ref[1:2, :] - seg0
        x = (tok + pos_x) * m + seg0 + lbf * dseg
        mean = jnp.mean(x, axis=1, keepdims=True)
        xc = x - mean
        var = jnp.mean(xc * xc, axis=1, keepdims=True)
        o_ref[0] = xc * lax.rsqrt(var + EPS) * gam_ref[...] + bet_ref[...]

    in_specs = [
        pl.BlockSpec((B, TS), lambda i, j: (0, i0 + i)),
        pl.BlockSpec((B, TS), lambda i, j: (0, i0 + i)),
        pl.BlockSpec((TS, D), lambda i, j: (j * NSBP + i, 0)),
        pl.BlockSpec((TS, D), lambda i, j: (i0 + i, 0)),
        pl.BlockSpec((NSEG, D), lambda i, j: (0, 0)),
        pl.BlockSpec((1, D), lambda i, j: (0, 0)),
        pl.BlockSpec((1, D), lambda i, j: (0, 0)),
    ]
    args = [seq, lbl, tok_p, pos, seg, gam, bet]
    aliases = {}
    if carry is not None:
        in_specs.append(pl.BlockSpec(memory_space=pl.ANY))
        args.append(carry)
        aliases = {7: 0}

    return pl.pallas_call(
        body,
        grid=(NSBP, B),
        in_specs=in_specs,
        out_specs=pl.BlockSpec((1, TS, D), lambda i, j: (j, i0 + i, 0)),
        out_shape=jax.ShapeDtypeStruct((B, S, D), jnp.float32),
        input_output_aliases=aliases,
    )(*args)


def kernel(sequence, segment_label, token_table, pos_table, seg_table, gamma,
           beta):
    B, S = sequence.shape
    V, D = token_table.shape
    NSEG = seg_table.shape[0]
    seq = sequence.astype(jnp.int32)
    lbl = segment_label.astype(jnp.int32)
    gam = gamma.reshape(1, D)
    bet = beta.reshape(1, D)
    pos = pos_table[:S]

    offs = [sum(PIECES[:p]) for p in range(len(PIECES))]
    seq_flat = seq.reshape(-1)
    gathered = [
        _make_sc_gather(B, S, SP, s0, V, D)(seq_flat, token_table)
        for SP, s0 in zip(PIECES, offs)
    ]

    out = None
    for p, (SP, s0) in enumerate(zip(PIECES, offs)):
        out = _tc_ln_piece(B, S, D, NSEG, SP, s0, seq, lbl, gathered[p],
                           pos, seg_table, gam, bet, out)
    return out

# --- scband reference (transcript-rebuilt; emitter-appended) ---
"""Pipeline reference for scband-encoder-embedding-86870008529533 (READ-ONLY COPY).

The authoritative reference and input builder live on the scoring server;
editing this copy changes nothing except your own understanding.
"""

import jax, jax.numpy as jnp
import numpy as np

VOCAB = 100000
DIM = 768
PAD = 0
MAXLEN = 2048
NSEG = 2
B = 4
S = 2048
EPS = 1e-5


def setup_inputs(seed: int = 0) -> dict:
    key = jax.random.key(seed)
    ks = jax.random.split(key, 6)
    sequence = jax.random.randint(ks[0], (B, S), 0, VOCAB)
    segment_label = jax.random.randint(ks[1], (B, S), 0, NSEG)
    token_table = jax.random.normal(ks[2], (VOCAB, DIM), dtype=jnp.float32) * 0.02
    pos_table = jax.random.normal(ks[3], (MAXLEN, DIM), dtype=jnp.float32) * 0.02
    seg_table = jax.random.normal(ks[4], (NSEG, DIM), dtype=jnp.float32) * 0.02
    gamma = jnp.ones((DIM,), dtype=jnp.float32)
    beta = jnp.zeros((DIM,), dtype=jnp.float32)
    return {
        "sequence": sequence,
        "segment_label": segment_label,
        "token_table": token_table,
        "pos_table": pos_table,
        "seg_table": seg_table,
        "gamma": gamma,
        "beta": beta,
    }


def reference(sequence, segment_label, token_table, pos_table, seg_table, gamma, beta):
    # nn.Embedding with padding_idx: pad row is a zero vector
    tok_tab = token_table.at[PAD].set(0.0)
    tok = jnp.take(tok_tab, sequence, axis=0)              # (B, S, D)
    # LearnedPositionEmbedding(seq, pad_id): learned pos emb for 0..S-1, zeroed at pad positions
    s = sequence.shape[1]
    positions = jnp.arange(s)
    pe = jnp.take(pos_table, positions, axis=0)[None, :, :]  # (1, S, D)
    nonpad = (sequence != PAD).astype(jnp.float32)[..., None]
    pe = pe * nonpad
    seg = jnp.take(seg_table, segment_label, axis=0)        # (B, S, D)
    x = tok + pe + seg
    # LayerNorm over last dim; Dropout is identity in eval mode
    mean = jnp.mean(x, axis=-1, keepdims=True)
    var = jnp.mean((x - mean) ** 2, axis=-1, keepdims=True)
    y = (x - mean) / jnp.sqrt(var + EPS) * gamma + beta
    return y

if __name__ == "__main__":
    import jax
    _d = setup_inputs()
    print(jax.jit(kernel)(*tuple(_d.values())))

</pallas_src>

<mosaic_0001>
#map = affine_map<(d0, d1) -> (0)>
#map1 = affine_map<(d0, d1) -> (0, 0)>
module attributes {stable_mosaic.version = 14 : i64} {
  func.func @sc_gather(%arg0: i32, %arg1: i32, %arg2: memref<8192xi32, #tpu.memory_space<hbm>>, %arg3: memref<100000x768xf32, #tpu.memory_space<hbm>>, %arg4: memref<4096x768xf32, #tpu.memory_space<hbm>>, %arg5: memref<128xi32, #tpu.memory_space<vmem>>, %arg6: memref<64x768xf32, #tpu.memory_space<vmem>>, %arg7: memref<64x768xf32, #tpu.memory_space<vmem>>, %arg8: memref<!tpu.dma_semaphore, #tpu.memory_space<semaphore_mem>>, %arg9: memref<!tpu.dma_semaphore, #tpu.memory_space<semaphore_mem>>, %arg10: memref<!tpu.dma_semaphore, #tpu.memory_space<semaphore_mem>>, %arg11: memref<!tpu.dma_semaphore, #tpu.memory_space<semaphore_mem>>) attributes {dimension_semantics = [#tpu.dimension_semantics<core_parallel>, #tpu.dimension_semantics<subcore_parallel>], iteration_bounds = array<i64: 2, 16>, scalar_prefetch = 0 : i64, scratch_operands = 7 : i64, tpu.core_type = #tpu.core_type<sc_vector_subcore>, window_params = [{transform_indices = #map}, {transform_indices = #map1}, {transform_indices = #map1}]} {
    %mul3A = arith.constant 2 : i32
    %mul3A_0 = arith.muli %arg1, %mul3A : i32
    %add3A = arith.addi %mul3A_0, %arg0 : i32
    %mul3A_1 = arith.constant 128 : i32
    %mul3A_2 = arith.muli %add3A, %mul3A_1 : i32
    %jit3A = arith.constant 8 : i32
    %div3A = arith.divsi %add3A, %jit3A : i32
    %sign3A = arith.constant 0 : i32
    %sign3A_3 = arith.cmpi sgt, %add3A, %sign3A : i32
    %sign3A_4 = arith.extui %sign3A_3 : i1 to i32
    %sign3A_5 = arith.constant 0 : i32
    %sign3A_6 = arith.cmpi slt, %add3A, %sign3A_5 : i32
    %sign3A_7 = arith.extui %sign3A_6 : i1 to i32
    %sign3A_8 = arith.subi %sign3A_4, %sign3A_7 : i32
    %sign3A_9 = arith.constant 0 : i32
    %sign3A_10 = arith.cmpi sgt, %jit3A, %sign3A_9 : i32
    %sign3A_11 = arith.extui %sign3A_10 : i1 to i32
    %sign3A_12 = arith.constant 0 : i32
    %sign3A_13 = arith.cmpi slt, %jit3A, %sign3A_12 : i32
    %sign3A_14 = arith.extui %sign3A_13 : i1 to i32
    %sign3A_15 = arith.subi %sign3A_11, %sign3A_14 : i32
    %ne3A = arith.cmpi ne, %sign3A_8, %sign3A_15 : i32
    %rem3A = arith.remsi %add3A, %jit3A : i32
    %ne3A_16 = arith.constant 0 : i32
    %ne3A_17 = arith.cmpi ne, %rem3A, %ne3A_16 : i32
    %and3A = arith.andi %ne3A, %ne3A_17 : i1
    %sub3A = arith.constant 1 : i32
    %sub3A_18 = arith.subi %div3A, %sub3A : i32
    %select_n3A = arith.select %and3A, %sub3A_18, %div3A : i32
    %mul3A_19 = arith.constant 2048 : i32
    %mul3A_20 = arith.muli %select_n3A, %mul3A_19 : i32
    %add3A_21 = arith.constant 0 : i32
    %add3A_22 = arith.addi %mul3A_20, %add3A_21 : i32
    %jit3A_23 = arith.constant 8 : i32
    %eq3A = arith.constant 0 : i32
    %eq3A_24 = arith.cmpi eq, %jit3A_23, %eq3A : i32
    %jit3A_25 = arith.constant 1 : i32
    %select_n3A_26 = arith.select %eq3A_24, %jit3A_25, %jit3A_23 : i32
    %rem3A_27 = arith.remsi %add3A, %select_n3A_26 : i32
    %ne3A_28 = arith.constant 0 : i32
    %ne3A_29 = arith.cmpi ne, %rem3A_27, %ne3A_28 : i32
    %lt3A = arith.constant 0 : i32
    %lt3A_30 = arith.cmpi slt, %rem3A_27, %lt3A : i32
    %lt3A_31 = arith.constant 0 : i32
    %lt3A_32 = arith.cmpi slt, %select_n3A_26, %lt3A_31 : i32
    %ne3A_33 = arith.xori %lt3A_30, %lt3A_32 : i1
    %and3A_34 = arith.andi %ne3A_33, %ne3A_29 : i1
    %add3A_35 = arith.addi %rem3A_27, %select_n3A_26 : i32
    %select_n3A_36 = arith.select %and3A_34, %add3A_35, %rem3A_27 : i32
    %mul3A_37 = arith.constant 128 : i32
    %mul3A_38 = arith.muli %select_n3A_36, %mul3A_37 : i32
    %add3A_39 = arith.addi %add3A_22, %mul3A_38 : i32
    "tpu.region"() ({
      %run_scoped3A = tpu.sem_alloc : memref<!tpu.dma_semaphore, #tpu.memory_space<semaphore_mem>>
      %dma_start3A_78 = tpu.memref_slice %arg2[%add3A_39] : memref<8192xi32, #tpu.memory_space<hbm>> -> memref<128xi32, #tpu.memory_space<hbm>>
      %dma_start3A_79 = tpu.memref_slice %arg2[%add3A_39] : memref<8192xi32, #tpu.memory_space<hbm>> -> memref<128xi32, #tpu.memory_space<hbm>>
      tpu.enqueue_dma source(%dma_start3A_79 : memref<128xi32, #tpu.memory_space<hbm>>) target(%arg5 : memref<128xi32, #tpu.memory_space<vmem>>) target_semaphore(%run_scoped3A : memref<!tpu.dma_semaphore, #tpu.memory_space<semaphore_mem>>)
      %dma_wait3A_80 = tpu.memref_slice %arg2[%add3A_39] : memref<8192xi32, #tpu.memory_space<hbm>> -> memref<128xi32, #tpu.memory_space<hbm>>
      %dma_wait3A_81 = tpu.memref_slice %arg2[%add3A_39] : memref<8192xi32, #tpu.memory_space<hbm>> -> memref<128xi32, #tpu.memory_space<hbm>>
      tpu.wait_dma2 semaphore(%run_scoped3A : memref<!tpu.dma_semaphore, #tpu.memory_space<semaphore_mem>>) src(%dma_wait3A_81 : memref<128xi32, #tpu.memory_space<hbm>>) dst(%arg5 : memref<128xi32, #tpu.memory_space<vmem>>)
      tpu.yield
    }) : () -> ()
    %dma_start3A = arith.constant 0 : i32
    %dma_start3A_40 = tpu.memref_slice %arg5[%dma_start3A] : memref<128xi32, #tpu.memory_space<vmem>> -> memref<64xi32, #tpu.memory_space<vmem>>
    %dma_start3A_41 = arith.constant 0 : i32
    %dma_start3A_42 = arith.constant 0 : i32
    %dma_start3A_43 = tpu.memref_slice %arg3[%dma_start3A_41, %dma_start3A_42] : memref<100000x768xf32, #tpu.memory_space<hbm>> -> memref<100000x768xf32, #tpu.memory_space<hbm>>
    tpu.enqueue_indirect_dma source(%dma_start3A_43 : memref<100000x768xf32, #tpu.memory_space<hbm>>) target(%arg6 : memref<64x768xf32, #tpu.memory_space<vmem>>) offsets(%dma_start3A_40 : memref<64xi32, #tpu.memory_space<vmem>>) semaphore(%arg8 : memref<!tpu.dma_semaphore, #tpu.memory_space<semaphore_mem>>)
    %dma_start3A_44 = arith.constant 64 : i32
    %dma_start3A_45 = tpu.memref_slice %arg5[%dma_start3A_44] : memref<128xi32, #tpu.memory_space<vmem>> -> memref<64xi32, #tpu.memory_space<vmem>>
    %dma_start3A_46 = arith.constant 0 : i32
    %dma_start3A_47 = arith.constant 0 : i32
    %dma_start3A_48 = tpu.memref_slice %arg3[%dma_start3A_46, %dma_start3A_47] : memref<100000x768xf32, #tpu.memory_space<hbm>> -> memref<100000x768xf32, #tpu.memory_space<hbm>>
    tpu.enqueue_indirect_dma source(%dma_start3A_48 : memref<100000x768xf32, #tpu.memory_space<hbm>>) target(%arg7 : memref<64x768xf32, #tpu.memory_space<vmem>>) offsets(%dma_start3A_45 : memref<64xi32, #tpu.memory_space<vmem>>) semaphore(%arg9 : memref<!tpu.dma_semaphore, #tpu.memory_space<semaphore_mem>>)
    %dma_wait3A = arith.constant 0 : i32
    %dma_wait3A_49 = tpu.memref_slice %arg5[%dma_wait3A] : memref<128xi32, #tpu.memory_space<vmem>> -> memref<64xi32, #tpu.memory_space<vmem>>
    %dma_wait3A_50 = arith.constant 0 : i32
    %dma_wait3A_51 = arith.constant 0 : i32
    %dma_wait3A_52 = tpu.memref_slice %arg3[%dma_wait3A_50, %dma_wait3A_51] : memref<100000x768xf32, #tpu.memory_space<hbm>> -> memref<100000x768xf32, #tpu.memory_space<hbm>>
    tpu.wait_indirect_dma semaphore(%arg8 : memref<!tpu.dma_semaphore, #tpu.memory_space<semaphore_mem>>) src(%dma_wait3A_52 : memref<100000x768xf32, #tpu.memory_space<hbm>>) dst(%arg6 : memref<64x768xf32, #tpu.memory_space<vmem>>)
    %add3A_53 = arith.constant 0 : i32
    %add3A_54 = arith.addi %mul3A_2, %add3A_53 : i32
    %dma_start3A_55 = arith.constant 0 : i32
    %dma_start3A_56 = tpu.memref_slice %arg4[%add3A_54, %dma_start3A_55] : memref<4096x768xf32, #tpu.memory_space<hbm>> -> memref<64x768xf32, #tpu.memory_space<hbm>>
    %dma_start3A_57 = arith.constant 0 : i32
    %dma_start3A_58 = tpu.memref_slice %arg4[%add3A_54, %dma_start3A_57] : memref<4096x768xf32, #tpu.memory_space<hbm>> -> memref<64x768xf32, #tpu.memory_space<hbm>>
    tpu.enqueue_dma source(%arg6 : memref<64x768xf32, #tpu.memory_space<vmem>>) target(%dma_start3A_58 : memref<64x768xf32, #tpu.memory_space<hbm>>) target_semaphore(%arg10 : memref<!tpu.dma_semaphore, #tpu.memory_space<semaphore_mem>>)
    %dma_wait3A_59 = arith.constant 64 : i32
    %dma_wait3A_60 = tpu.memref_slice %arg5[%dma_wait3A_59] : memref<128xi32, #tpu.memory_space<vmem>> -> memref<64xi32, #tpu.memory_space<vmem>>
    %dma_wait3A_61 = arith.constant 0 : i32
    %dma_wait3A_62 = arith.constant 0 : i32
    %dma_wait3A_63 = tpu.memref_slice %arg3[%dma_wait3A_61, %dma_wait3A_62] : memref<100000x768xf32, #tpu.memory_space<hbm>> -> memref<100000x768xf32, #tpu.memory_space<hbm>>
    tpu.wait_indirect_dma semaphore(%arg9 : memref<!tpu.dma_semaphore, #tpu.memory_space<semaphore_mem>>) src(%dma_wait3A_63 : memref<100000x768xf32, #tpu.memory_space<hbm>>) dst(%arg7 : memref<64x768xf32, #tpu.memory_space<vmem>>)
    %add3A_64 = arith.constant 64 : i32
    %add3A_65 = arith.addi %mul3A_2, %add3A_64 : i32
    %dma_start3A_66 = arith.constant 0 : i32
    %dma_start3A_67 = tpu.memref_slice %arg4[%add3A_65, %dma_start3A_66] : memref<4096x768xf32, #tpu.memory_space<hbm>> -> memref<64x768xf32, #tpu.memory_space<hbm>>
    %dma_start3A_68 = arith.constant 0 : i32
    %dma_start3A_69 = tpu.memref_slice %arg4[%add3A_65, %dma_start3A_68] : memref<4096x768xf32, #tpu.memory_space<hbm>> -> memref<64x768xf32, #tpu.memory_space<hbm>>
    tpu.enqueue_dma source(%arg7 : memref<64x768xf32, #tpu.memory_space<vmem>>) target(%dma_start3A_69 : memref<64x768xf32, #tpu.memory_space<hbm>>) target_semaphore(%arg11 : memref<!tpu.dma_semaphore, #tpu.memory_space<semaphore_mem>>)
    %dma_wait3A_70 = arith.constant 0 : i32
    %dma_wait3A_71 = tpu.memref_slice %arg4[%add3A_54, %dma_wait3A_70] : memref<4096x768xf32, #tpu.memory_space<hbm>> -> memref<64x768xf32, #tpu.memory_space<hbm>>
    %dma_wait3A_72 = arith.constant 0 : i32
    %dma_wait3A_73 = tpu.memref_slice %arg4[%add3A_54, %dma_wait3A_72] : memref<4096x768xf32, #tpu.memory_space<hbm>> -> memref<64x768xf32, #tpu.memory_space<hbm>>
    tpu.wait_dma2 semaphore(%arg10 : memref<!tpu.dma_semaphore, #tpu.memory_space<semaphore_mem>>) src(%arg6 : memref<64x768xf32, #tpu.memory_space<vmem>>) dst(%dma_wait3A_73 : memref<64x768xf32, #tpu.memory_space<hbm>>)
    %dma_wait3A_74 = arith.constant 0 : i32
    %dma_wait3A_75 = tpu.memref_slice %arg4[%add3A_65, %dma_wait3A_74] : memref<4096x768xf32, #tpu.memory_space<hbm>> -> memref<64x768xf32, #tpu.memory_space<hbm>>
    %dma_wait3A_76 = arith.constant 0 : i32
    %dma_wait3A_77 = tpu.memref_slice %arg4[%add3A_65, %dma_wait3A_76] : memref<4096x768xf32, #tpu.memory_space<hbm>> -> memref<64x768xf32, #tpu.memory_space<hbm>>
    tpu.wait_dma2 semaphore(%arg11 : memref<!tpu.dma_semaphore, #tpu.memory_space<semaphore_mem>>) src(%arg7 : memref<64x768xf32, #tpu.memory_space<vmem>>) dst(%dma_wait3A_77 : memref<64x768xf32, #tpu.memory_space<hbm>>)
    return
  }
}

#map = affine_map<(d0, d1) -> (0)>
#map1 = affine_map<(d0, d1) -> (0, 0)>
module attributes {stable_mosaic.version = 14 : i64} {
  func.func @sc_gather(%arg0: i32, %arg1: i32, %arg2: memref<8192xi32, #tpu.memory_space<hbm>>, %arg3: memref<100000x768xf32, #tpu.memory_space<hbm>>, %arg4: memref<2048x768xf32, #tpu.memory_space<hbm>>, %arg5: memref<64xi32, #tpu.memory_space<vmem>>, %arg6: memref<32x768xf32, #tpu.memory_space<vmem>>, %arg7: memref<32x768xf32, #tpu.memory_space<vmem>>, %arg8: memref<!tpu.dma_semaphore, #tpu.memory_space<semaphore_mem>>, %arg9: memref<!tpu.dma_semaphore, #tpu.memory_space<semaphore_mem>>, %arg10: memref<!tpu.dma_semaphore, #tpu.memory_space<semaphore_mem>>, %arg11: memref<!tpu.dma_semaphore, #tpu.memory_space<semaphore_mem>>) attributes {dimension_semantics = [#tpu.dimension_semantics<core_parallel>, #tpu.dimension_semantics<subcore_parallel>], iteration_bounds = array<i64: 2, 16>, scalar_prefetch = 0 : i64, scratch_operands = 7 : i64, tpu.core_type = #tpu.core_type<sc_vector_subcore>, window_params = [{transform_indices = #map}, {transform_indices = #map1}, {transform_indices = #map1}]} {
    %mul3A = arith.constant 2 : i32
    %mul3A_0 = arith.muli %arg1, %mul3A : i32
    %add3A = arith.addi %mul3A_0, %arg0 : i32
    %mul3A_1 = arith.constant 64 : i32
    %mul3A_2 = arith.muli %add3A, %mul3A_1 : i32
    %jit3A = arith.constant 8 : i32
    %div3A = arith.divsi %add3A, %jit3A : i32
    %sign3A = arith.constant 0 : i32
    %sign3A_3 = arith.cmpi sgt, %add3A, %sign3A : i32
    %sign3A_4 = arith.extui %sign3A_3 : i1 to i32
    %sign3A_5 = arith.constant 0 : i32
    %sign3A_6 = arith.cmpi slt, %add3A, %sign3A_5 : i32
    %sign3A_7 = arith.extui %sign3A_6 : i1 to i32
    %sign3A_8 = arith.subi %sign3A_4, %sign3A_7 : i32
    %sign3A_9 = arith.constant 0 : i32
    %sign3A_10 = arith.cmpi sgt, %jit3A, %sign3A_9 : i32
    %sign3A_11 = arith.extui %sign3A_10 : i1 to i32
    %sign3A_12 = arith.constant 0 : i32
    %sign3A_13 = arith.cmpi slt, %jit3A, %sign3A_12 : i32
    %sign3A_14 = arith.extui %sign3A_13 : i1 to i32
    %sign3A_15 = arith.subi %sign3A_11, %sign3A_14 : i32
    %ne3A = arith.cmpi ne, %sign3A_8, %sign3A_15 : i32
    %rem3A = arith.remsi %add3A, %jit3A : i32
    %ne3A_16 = arith.constant 0 : i32
    %ne3A_17 = arith.cmpi ne, %rem3A, %ne3A_16 : i32
    %and3A = arith.andi %ne3A, %ne3A_17 : i1
    %sub3A = arith.constant 1 : i32
    %sub3A_18 = arith.subi %div3A, %sub3A : i32
    %select_n3A = arith.select %and3A, %sub3A_18, %div3A : i32
    %mul3A_19 = arith.constant 2048 : i32
    %mul3A_20 = arith.muli %select_n3A, %mul3A_19 : i32
    %add3A_21 = arith.constant 1536 : i32
    %add3A_22 = arith.addi %mul3A_20, %add3A_21 : i32
    %jit3A_23 = arith.constant 8 : i32
    %eq3A = arith.constant 0 : i32
    %eq3A_24 = arith.cmpi eq, %jit3A_23, %eq3A : i32
    %jit3A_25 = arith.constant 1 : i32
    %select_n3A_26 = arith.select %eq3A_24, %jit3A_25, %jit3A_23 : i32
    %rem3A_27 = arith.remsi %add3A, %select_n3A_26 : i32
    %ne3A_28 = arith.constant 0 : i32
    %ne3A_29 = arith.cmpi ne, %rem3A_27, %ne3A_28 : i32
    %lt3A = arith.constant 0 : i32
    %lt3A_30 = arith.cmpi slt, %rem3A_27, %lt3A : i32
    %lt3A_31 = arith.constant 0 : i32
    %lt3A_32 = arith.cmpi slt, %select_n3A_26, %lt3A_31 : i32
    %ne3A_33 = arith.xori %lt3A_30, %lt3A_32 : i1
    %and3A_34 = arith.andi %ne3A_33, %ne3A_29 : i1
    %add3A_35 = arith.addi %rem3A_27, %select_n3A_26 : i32
    %select_n3A_36 = arith.select %and3A_34, %add3A_35, %rem3A_27 : i32
    %mul3A_37 = arith.constant 64 : i32
    %mul3A_38 = arith.muli %select_n3A_36, %mul3A_37 : i32
    %add3A_39 = arith.addi %add3A_22, %mul3A_38 : i32
    "tpu.region"() ({
      %run_scoped3A = tpu.sem_alloc : memref<!tpu.dma_semaphore, #tpu.memory_space<semaphore_mem>>
      %dma_start3A_78 = tpu.memref_slice %arg2[%add3A_39] : memref<8192xi32, #tpu.memory_space<hbm>> -> memref<64xi32, #tpu.memory_space<hbm>>
      %dma_start3A_79 = tpu.memref_slice %arg2[%add3A_39] : memref<8192xi32, #tpu.memory_space<hbm>> -> memref<64xi32, #tpu.memory_space<hbm>>
      tpu.enqueue_dma source(%dma_start3A_79 : memref<64xi32, #tpu.memory_space<hbm>>) target(%arg5 : memref<64xi32, #tpu.memory_space<vmem>>) target_semaphore(%run_scoped3A : memref<!tpu.dma_semaphore, #tpu.memory_space<semaphore_mem>>)
      %dma_wait3A_80 = tpu.memref_slice %arg2[%add3A_39] : memref<8192xi32, #tpu.memory_space<hbm>> -> memref<64xi32, #tpu.memory_space<hbm>>
      %dma_wait3A_81 = tpu.memref_slice %arg2[%add3A_39] : memref<8192xi32, #tpu.memory_space<hbm>> -> memref<64xi32, #tpu.memory_space<hbm>>
      tpu.wait_dma2 semaphore(%run_scoped3A : memref<!tpu.dma_semaphore, #tpu.memory_space<semaphore_mem>>) src(%dma_wait3A_81 : memref<64xi32, #tpu.memory_space<hbm>>) dst(%arg5 : memref<64xi32, #tpu.memory_space<vmem>>)
      tpu.yield
    }) : () -> ()
    %dma_start3A = arith.constant 0 : i32
    %dma_start3A_40 = tpu.memref_slice %arg5[%dma_start3A] : memref<64xi32, #tpu.memory_space<vmem>> -> memref<32xi32, #tpu.memory_space<vmem>>
    %dma_start3A_41 = arith.constant 0 : i32
    %dma_start3A_42 = arith.constant 0 : i32
    %dma_start3A_43 = tpu.memref_slice %arg3[%dma_start3A_41, %dma_start3A_42] : memref<100000x768xf32, #tpu.memory_space<hbm>> -> memref<100000x768xf32, #tpu.memory_space<hbm>>
    tpu.enqueue_indirect_dma source(%dma_start3A_43 : memref<100000x768xf32, #tpu.memory_space<hbm>>) target(%arg6 : memref<32x768xf32, #tpu.memory_space<vmem>>) offsets(%dma_start3A_40 : memref<32xi32, #tpu.memory_space<vmem>>) semaphore(%arg8 : memref<!tpu.dma_semaphore, #tpu.memory_space<semaphore_mem>>)
    %dma_start3A_44 = arith.constant 32 : i32
    %dma_start3A_45 = tpu.memref_slice %arg5[%dma_start3A_44] : memref<64xi32, #tpu.memory_space<vmem>> -> memref<32xi32, #tpu.memory_space<vmem>>
    %dma_start3A_46 = arith.constant 0 : i32
    %dma_start3A_47 = arith.constant 0 : i32
    %dma_start3A_48 = tpu.memref_slice %arg3[%dma_start3A_46, %dma_start3A_47] : memref<100000x768xf32, #tpu.memory_space<hbm>> -> memref<100000x768xf32, #tpu.memory_space<hbm>>
    tpu.enqueue_indirect_dma source(%dma_start3A_48 : memref<100000x768xf32, #tpu.memory_space<hbm>>) target(%arg7 : memref<32x768xf32, #tpu.memory_space<vmem>>) offsets(%dma_start3A_45 : memref<32xi32, #tpu.memory_space<vmem>>) semaphore(%arg9 : memref<!tpu.dma_semaphore, #tpu.memory_space<semaphore_mem>>)
    %dma_wait3A = arith.constant 0 : i32
    %dma_wait3A_49 = tpu.memref_slice %arg5[%dma_wait3A] : memref<64xi32, #tpu.memory_space<vmem>> -> memref<32xi32, #tpu.memory_space<vmem>>
    %dma_wait3A_50 = arith.constant 0 : i32
    %dma_wait3A_51 = arith.constant 0 : i32
    %dma_wait3A_52 = tpu.memref_slice %arg3[%dma_wait3A_50, %dma_wait3A_51] : memref<100000x768xf32, #tpu.memory_space<hbm>> -> memref<100000x768xf32, #tpu.memory_space<hbm>>
    tpu.wait_indirect_dma semaphore(%arg8 : memref<!tpu.dma_semaphore, #tpu.memory_space<semaphore_mem>>) src(%dma_wait3A_52 : memref<100000x768xf32, #tpu.memory_space<hbm>>) dst(%arg6 : memref<32x768xf32, #tpu.memory_space<vmem>>)
    %add3A_53 = arith.constant 0 : i32
    %add3A_54 = arith.addi %mul3A_2, %add3A_53 : i32
    %dma_start3A_55 = arith.constant 0 : i32
    %dma_start3A_56 = tpu.memref_slice %arg4[%add3A_54, %dma_start3A_55] : memref<2048x768xf32, #tpu.memory_space<hbm>> -> memref<32x768xf32, #tpu.memory_space<hbm>>
    %dma_start3A_57 = arith.constant 0 : i32
    %dma_start3A_58 = tpu.memref_slice %arg4[%add3A_54, %dma_start3A_57] : memref<2048x768xf32, #tpu.memory_space<hbm>> -> memref<32x768xf32, #tpu.memory_space<hbm>>
    tpu.enqueue_dma source(%arg6 : memref<32x768xf32, #tpu.memory_space<vmem>>) target(%dma_start3A_58 : memref<32x768xf32, #tpu.memory_space<hbm>>) target_semaphore(%arg10 : memref<!tpu.dma_semaphore, #tpu.memory_space<semaphore_mem>>)
    %dma_wait3A_59 = arith.constant 32 : i32
    %dma_wait3A_60 = tpu.memref_slice %arg5[%dma_wait3A_59] : memref<64xi32, #tpu.memory_space<vmem>> -> memref<32xi32, #tpu.memory_space<vmem>>
    %dma_wait3A_61 = arith.constant 0 : i32
    %dma_wait3A_62 = arith.constant 0 : i32
    %dma_wait3A_63 = tpu.memref_slice %arg3[%dma_wait3A_61, %dma_wait3A_62] : memref<100000x768xf32, #tpu.memory_space<hbm>> -> memref<100000x768xf32, #tpu.memory_space<hbm>>
    tpu.wait_indirect_dma semaphore(%arg9 : memref<!tpu.dma_semaphore, #tpu.memory_space<semaphore_mem>>) src(%dma_wait3A_63 : memref<100000x768xf32, #tpu.memory_space<hbm>>) dst(%arg7 : memref<32x768xf32, #tpu.memory_space<vmem>>)
    %add3A_64 = arith.constant 32 : i32
    %add3A_65 = arith.addi %mul3A_2, %add3A_64 : i32
    %dma_start3A_66 = arith.constant 0 : i32
    %dma_start3A_67 = tpu.memref_slice %arg4[%add3A_65, %dma_start3A_66] : memref<2048x768xf32, #tpu.memory_space<hbm>> -> memref<32x768xf32, #tpu.memory_space<hbm>>
    %dma_start3A_68 = arith.constant 0 : i32
    %dma_start3A_69 = tpu.memref_slice %arg4[%add3A_65, %dma_start3A_68] : memref<2048x768xf32, #tpu.memory_space<hbm>> -> memref<32x768xf32, #tpu.memory_space<hbm>>
    tpu.enqueue_dma source(%arg7 : memref<32x768xf32, #tpu.memory_space<vmem>>) target(%dma_start3A_69 : memref<32x768xf32, #tpu.memory_space<hbm>>) target_semaphore(%arg11 : memref<!tpu.dma_semaphore, #tpu.memory_space<semaphore_mem>>)
    %dma_wait3A_70 = arith.constant 0 : i32
    %dma_wait3A_71 = tpu.memref_slice %arg4[%add3A_54, %dma_wait3A_70] : memref<2048x768xf32, #tpu.memory_space<hbm>> -> memref<32x768xf32, #tpu.memory_space<hbm>>
    %dma_wait3A_72 = arith.constant 0 : i32
    %dma_wait3A_73 = tpu.memref_slice %arg4[%add3A_54, %dma_wait3A_72] : memref<2048x768xf32, #tpu.memory_space<hbm>> -> memref<32x768xf32, #tpu.memory_space<hbm>>
    tpu.wait_dma2 semaphore(%arg10 : memref<!tpu.dma_semaphore, #tpu.memory_space<semaphore_mem>>) src(%arg6 : memref<32x768xf32, #tpu.memory_space<vmem>>) dst(%dma_wait3A_73 : memref<32x768xf32, #tpu.memory_space<hbm>>)
    %dma_wait3A_74 = arith.constant 0 : i32
    %dma_wait3A_75 = tpu.memref_slice %arg4[%add3A_65, %dma_wait3A_74] : memref<2048x768xf32, #tpu.memory_space<hbm>> -> memref<32x768xf32, #tpu.memory_space<hbm>>
    %dma_wait3A_76 = arith.constant 0 : i32
    %dma_wait3A_77 = tpu.memref_slice %arg4[%add3A_65, %dma_wait3A_76] : memref<2048x768xf32, #tpu.memory_space<hbm>> -> memref<32x768xf32, #tpu.memory_space<hbm>>
    tpu.wait_dma2 semaphore(%arg11 : memref<!tpu.dma_semaphore, #tpu.memory_space<semaphore_mem>>) src(%arg7 : memref<32x768xf32, #tpu.memory_space<vmem>>) dst(%dma_wait3A_77 : memref<32x768xf32, #tpu.memory_space<hbm>>)
    return
  }
}

#map = affine_map<(d0, d1) -> (0)>
#map1 = affine_map<(d0, d1) -> (0, 0)>
module attributes {stable_mosaic.version = 14 : i64} {
  func.func @sc_gather(%arg0: i32, %arg1: i32, %arg2: memref<8192xi32, #tpu.memory_space<hbm>>, %arg3: memref<100000x768xf32, #tpu.memory_space<hbm>>, %arg4: memref<2048x768xf32, #tpu.memory_space<hbm>>, %arg5: memref<64xi32, #tpu.memory_space<vmem>>, %arg6: memref<32x768xf32, #tpu.memory_space<vmem>>, %arg7: memref<32x768xf32, #tpu.memory_space<vmem>>, %arg8: memref<!tpu.dma_semaphore, #tpu.memory_space<semaphore_mem>>, %arg9: memref<!tpu.dma_semaphore, #tpu.memory_space<semaphore_mem>>, %arg10: memref<!tpu.dma_semaphore, #tpu.memory_space<semaphore_mem>>, %arg11: memref<!tpu.dma_semaphore, #tpu.memory_space<semaphore_mem>>) attributes {dimension_semantics = [#tpu.dimension_semantics<core_parallel>, #tpu.dimension_semantics<subcore_parallel>], iteration_bounds = array<i64: 2, 16>, scalar_prefetch = 0 : i64, scratch_operands = 7 : i64, tpu.core_type = #tpu.core_type<sc_vector_subcore>, window_params = [{transform_indices = #map}, {transform_indices = #map1}, {transform_indices = #map1}]} {
    %mul3A = arith.constant 2 : i32
    %mul3A_0 = arith.muli %arg1, %mul3A : i32
    %add3A = arith.addi %mul3A_0, %arg0 : i32
    %mul3A_1 = arith.constant 64 : i32
    %mul3A_2 = arith.muli %add3A, %mul3A_1 : i32
    %jit3A = arith.constant 8 : i32
    %div3A = arith.divsi %add3A, %jit3A : i32
    %sign3A = arith.constant 0 : i32
    %sign3A_3 = arith.cmpi sgt, %add3A, %sign3A : i32
    %sign3A_4 = arith.extui %sign3A_3 : i1 to i32
    %sign3A_5 = arith.constant 0 : i32
    %sign3A_6 = arith.cmpi slt, %add3A, %sign3A_5 : i32
    %sign3A_7 = arith.extui %sign3A_6 : i1 to i32
    %sign3A_8 = arith.subi %sign3A_4, %sign3A_7 : i32
    %sign3A_9 = arith.constant 0 : i32
    %sign3A_10 = arith.cmpi sgt, %jit3A, %sign3A_9 : i32
    %sign3A_11 = arith.extui %sign3A_10 : i1 to i32
    %sign3A_12 = arith.constant 0 : i32
    %sign3A_13 = arith.cmpi slt, %jit3A, %sign3A_12 : i32
    %sign3A_14 = arith.extui %sign3A_13 : i1 to i32
    %sign3A_15 = arith.subi %sign3A_11, %sign3A_14 : i32
    %ne3A = arith.cmpi ne, %sign3A_8, %sign3A_15 : i32
    %rem3A = arith.remsi %add3A, %jit3A : i32
    %ne3A_16 = arith.constant 0 : i32
    %ne3A_17 = arith.cmpi ne, %rem3A, %ne3A_16 : i32
    %and3A = arith.andi %ne3A, %ne3A_17 : i1
    %sub3A = arith.constant 1 : i32
    %sub3A_18 = arith.subi %div3A, %sub3A : i32
    %select_n3A = arith.select %and3A, %sub3A_18, %div3A : i32
    %mul3A_19 = arith.constant 2048 : i32
    %mul3A_20 = arith.muli %select_n3A, %mul3A_19 : i32
    %add3A_21 = arith.constant 1024 : i32
    %add3A_22 = arith.addi %mul3A_20, %add3A_21 : i32
    %jit3A_23 = arith.constant 8 : i32
    %eq3A = arith.constant 0 : i32
    %eq3A_24 = arith.cmpi eq, %jit3A_23, %eq3A : i32
    %jit3A_25 = arith.constant 1 : i32
    %select_n3A_26 = arith.select %eq3A_24, %jit3A_25, %jit3A_23 : i32
    %rem3A_27 = arith.remsi %add3A, %select_n3A_26 : i32
    %ne3A_28 = arith.constant 0 : i32
    %ne3A_29 = arith.cmpi ne, %rem3A_27, %ne3A_28 : i32
    %lt3A = arith.constant 0 : i32
    %lt3A_30 = arith.cmpi slt, %rem3A_27, %lt3A : i32
    %lt3A_31 = arith.constant 0 : i32
    %lt3A_32 = arith.cmpi slt, %select_n3A_26, %lt3A_31 : i32
    %ne3A_33 = arith.xori %lt3A_30, %lt3A_32 : i1
    %and3A_34 = arith.andi %ne3A_33, %ne3A_29 : i1
    %add3A_35 = arith.addi %rem3A_27, %select_n3A_26 : i32
    %select_n3A_36 = arith.select %and3A_34, %add3A_35, %rem3A_27 : i32
    %mul3A_37 = arith.constant 64 : i32
    %mul3A_38 = arith.muli %select_n3A_36, %mul3A_37 : i32
    %add3A_39 = arith.addi %add3A_22, %mul3A_38 : i32
    "tpu.region"() ({
      %run_scoped3A = tpu.sem_alloc : memref<!tpu.dma_semaphore, #tpu.memory_space<semaphore_mem>>
      %dma_start3A_78 = tpu.memref_slice %arg2[%add3A_39] : memref<8192xi32, #tpu.memory_space<hbm>> -> memref<64xi32, #tpu.memory_space<hbm>>
      %dma_start3A_79 = tpu.memref_slice %arg2[%add3A_39] : memref<8192xi32, #tpu.memory_space<hbm>> -> memref<64xi32, #tpu.memory_space<hbm>>
      tpu.enqueue_dma source(%dma_start3A_79 : memref<64xi32, #tpu.memory_space<hbm>>) target(%arg5 : memref<64xi32, #tpu.memory_space<vmem>>) target_semaphore(%run_scoped3A : memref<!tpu.dma_semaphore, #tpu.memory_space<semaphore_mem>>)
      %dma_wait3A_80 = tpu.memref_slice %arg2[%add3A_39] : memref<8192xi32, #tpu.memory_space<hbm>> -> memref<64xi32, #tpu.memory_space<hbm>>
      %dma_wait3A_81 = tpu.memref_slice %arg2[%add3A_39] : memref<8192xi32, #tpu.memory_space<hbm>> -> memref<64xi32, #tpu.memory_space<hbm>>
      tpu.wait_dma2 semaphore(%run_scoped3A : memref<!tpu.dma_semaphore, #tpu.memory_space<semaphore_mem>>) src(%dma_wait3A_81 : memref<64xi32, #tpu.memory_space<hbm>>) dst(%arg5 : memref<64xi32, #tpu.memory_space<vmem>>)
      tpu.yield
    }) : () -> ()
    %dma_start3A = arith.constant 0 : i32
    %dma_start3A_40 = tpu.memref_slice %arg5[%dma_start3A] : memref<64xi32, #tpu.memory_space<vmem>> -> memref<32xi32, #tpu.memory_space<vmem>>
    %dma_start3A_41 = arith.constant 0 : i32
    %dma_start3A_42 = arith.constant 0 : i32
    %dma_start3A_43 = tpu.memref_slice %arg3[%dma_start3A_41, %dma_start3A_42] : memref<100000x768xf32, #tpu.memory_space<hbm>> -> memref<100000x768xf32, #tpu.memory_space<hbm>>
    tpu.enqueue_indirect_dma source(%dma_start3A_43 : memref<100000x768xf32, #tpu.memory_space<hbm>>) target(%arg6 : memref<32x768xf32, #tpu.memory_space<vmem>>) offsets(%dma_start3A_40 : memref<32xi32, #tpu.memory_space<vmem>>) semaphore(%arg8 : memref<!tpu.dma_semaphore, #tpu.memory_space<semaphore_mem>>)
    %dma_start3A_44 = arith.constant 32 : i32
    %dma_start3A_45 = tpu.memref_slice %arg5[%dma_start3A_44] : memref<64xi32, #tpu.memory_space<vmem>> -> memref<32xi32, #tpu.memory_space<vmem>>
    %dma_start3A_46 = arith.constant 0 : i32
    %dma_start3A_47 = arith.constant 0 : i32
    %dma_start3A_48 = tpu.memref_slice %arg3[%dma_start3A_46, %dma_start3A_47] : memref<100000x768xf32, #tpu.memory_space<hbm>> -> memref<100000x768xf32, #tpu.memory_space<hbm>>
    tpu.enqueue_indirect_dma source(%dma_start3A_48 : memref<100000x768xf32, #tpu.memory_space<hbm>>) target(%arg7 : memref<32x768xf32, #tpu.memory_space<vmem>>) offsets(%dma_start3A_45 : memref<32xi32, #tpu.memory_space<vmem>>) semaphore(%arg9 : memref<!tpu.dma_semaphore, #tpu.memory_space<semaphore_mem>>)
    %dma_wait3A = arith.constant 0 : i32
    %dma_wait3A_49 = tpu.memref_slice %arg5[%dma_wait3A] : memref<64xi32, #tpu.memory_space<vmem>> -> memref<32xi32, #tpu.memory_space<vmem>>
    %dma_wait3A_50 = arith.constant 0 : i32
    %dma_wait3A_51 = arith.constant 0 : i32
    %dma_wait3A_52 = tpu.memref_slice %arg3[%dma_wait3A_50, %dma_wait3A_51] : memref<100000x768xf32, #tpu.memory_space<hbm>> -> memref<100000x768xf32, #tpu.memory_space<hbm>>
    tpu.wait_indirect_dma semaphore(%arg8 : memref<!tpu.dma_semaphore, #tpu.memory_space<semaphore_mem>>) src(%dma_wait3A_52 : memref<100000x768xf32, #tpu.memory_space<hbm>>) dst(%arg6 : memref<32x768xf32, #tpu.memory_space<vmem>>)
    %add3A_53 = arith.constant 0 : i32
    %add3A_54 = arith.addi %mul3A_2, %add3A_53 : i32
    %dma_start3A_55 = arith.constant 0 : i32
    %dma_start3A_56 = tpu.memref_slice %arg4[%add3A_54, %dma_start3A_55] : memref<2048x768xf32, #tpu.memory_space<hbm>> -> memref<32x768xf32, #tpu.memory_space<hbm>>
    %dma_start3A_57 = arith.constant 0 : i32
    %dma_start3A_58 = tpu.memref_slice %arg4[%add3A_54, %dma_start3A_57] : memref<2048x768xf32, #tpu.memory_space<hbm>> -> memref<32x768xf32, #tpu.memory_space<hbm>>
    tpu.enqueue_dma source(%arg6 : memref<32x768xf32, #tpu.memory_space<vmem>>) target(%dma_start3A_58 : memref<32x768xf32, #tpu.memory_space<hbm>>) target_semaphore(%arg10 : memref<!tpu.dma_semaphore, #tpu.memory_space<semaphore_mem>>)
    %dma_wait3A_59 = arith.constant 32 : i32
    %dma_wait3A_60 = tpu.memref_slice %arg5[%dma_wait3A_59] : memref<64xi32, #tpu.memory_space<vmem>> -> memref<32xi32, #tpu.memory_space<vmem>>
    %dma_wait3A_61 = arith.constant 0 : i32
    %dma_wait3A_62 = arith.constant 0 : i32
    %dma_wait3A_63 = tpu.memref_slice %arg3[%dma_wait3A_61, %dma_wait3A_62] : memref<100000x768xf32, #tpu.memory_space<hbm>> -> memref<100000x768xf32, #tpu.memory_space<hbm>>
    tpu.wait_indirect_dma semaphore(%arg9 : memref<!tpu.dma_semaphore, #tpu.memory_space<semaphore_mem>>) src(%dma_wait3A_63 : memref<100000x768xf32, #tpu.memory_space<hbm>>) dst(%arg7 : memref<32x768xf32, #tpu.memory_space<vmem>>)
    %add3A_64 = arith.constant 32 : i32
    %add3A_65 = arith.addi %mul3A_2, %add3A_64 : i32
    %dma_start3A_66 = arith.constant 0 : i32
    %dma_start3A_67 = tpu.memref_slice %arg4[%add3A_65, %dma_start3A_66] : memref<2048x768xf32, #tpu.memory_space<hbm>> -> memref<32x768xf32, #tpu.memory_space<hbm>>
    %dma_start3A_68 = arith.constant 0 : i32
    %dma_start3A_69 = tpu.memref_slice %arg4[%add3A_65, %dma_start3A_68] : memref<2048x768xf32, #tpu.memory_space<hbm>> -> memref<32x768xf32, #tpu.memory_space<hbm>>
    tpu.enqueue_dma source(%arg7 : memref<32x768xf32, #tpu.memory_space<vmem>>) target(%dma_start3A_69 : memref<32x768xf32, #tpu.memory_space<hbm>>) target_semaphore(%arg11 : memref<!tpu.dma_semaphore, #tpu.memory_space<semaphore_mem>>)
    %dma_wait3A_70 = arith.constant 0 : i32
    %dma_wait3A_71 = tpu.memref_slice %arg4[%add3A_54, %dma_wait3A_70] : memref<2048x768xf32, #tpu.memory_space<hbm>> -> memref<32x768xf32, #tpu.memory_space<hbm>>
    %dma_wait3A_72 = arith.constant 0 : i32
    %dma_wait3A_73 = tpu.memref_slice %arg4[%add3A_54, %dma_wait3A_72] : memref<2048x768xf32, #tpu.memory_space<hbm>> -> memref<32x768xf32, #tpu.memory_space<hbm>>
    tpu.wait_dma2 semaphore(%arg10 : memref<!tpu.dma_semaphore, #tpu.memory_space<semaphore_mem>>) src(%arg6 : memref<32x768xf32, #tpu.memory_space<vmem>>) dst(%dma_wait3A_73 : memref<32x768xf32, #tpu.memory_space<hbm>>)
    %dma_wait3A_74 = arith.constant 0 : i32
    %dma_wait3A_75 = tpu.memref_slice %arg4[%add3A_65, %dma_wait3A_74] : memref<2048x768xf32, #tpu.memory_space<hbm>> -> memref<32x768xf32, #tpu.memory_space<hbm>>
    %dma_wait3A_76 = arith.constant 0 : i32
    %dma_wait3A_77 = tpu.memref_slice %arg4[%add3A_65, %dma_wait3A_76] : memref<2048x768xf32, #tpu.memory_space<hbm>> -> memref<32x768xf32, #tpu.memory_space<hbm>>
    tpu.wait_dma2 semaphore(%arg11 : memref<!tpu.dma_semaphore, #tpu.memory_space<semaphore_mem>>) src(%arg7 : memref<32x768xf32, #tpu.memory_space<vmem>>) dst(%dma_wait3A_77 : memref<32x768xf32, #tpu.memory_space<hbm>>)
    return
  }
}

module attributes {stable_mosaic.version = 14 : i64} {
  func.func @body(%arg0: i32, %arg1: i32, %arg2: memref<4x512xi32, #tpu.memory_space<vmem>>, %arg3: memref<4x512xi32, #tpu.memory_space<vmem>>, %arg4: memref<512x768xf32, #tpu.memory_space<vmem>>, %arg5: memref<512x768xf32, #tpu.memory_space<vmem>>, %arg6: memref<2x768xf32, #tpu.memory_space<vmem>>, %arg7: memref<1x768xf32, #tpu.memory_space<vmem>>, %arg8: memref<1x768xf32, #tpu.memory_space<vmem>>, %arg9: memref<1x512x768xf32, #tpu.memory_space<vmem>>) attributes {dimension_semantics = [#tpu.dimension_semantics<arbitrary>, #tpu.dimension_semantics<arbitrary>], iteration_bounds = array<i64: 2, 4>, scalar_prefetch = 0 : i64, scratch_operands = 0 : i64, tpu.core_type = #tpu.core_type<tc>, window_params = [{transform_indices = @transform_0, window_bounds = array<i64: 4, 512>}, {transform_indices = @transform_1, window_bounds = array<i64: 4, 512>}, {transform_indices = @transform_2, window_bounds = array<i64: 512, 768>}, {transform_indices = @transform_3, window_bounds = array<i64: 512, 768>}, {pipeline_mode = #tpu.pipeline_mode<synchronous>, transform_indices = @transform_4, window_bounds = array<i64: 2, 768>}, {pipeline_mode = #tpu.pipeline_mode<synchronous>, transform_indices = @transform_5, window_bounds = array<i64: 1, 768>}, {pipeline_mode = #tpu.pipeline_mode<synchronous>, transform_indices = @transform_6, window_bounds = array<i64: 1, 768>}, {transform_indices = @transform_7, window_bounds = array<i64: 1, 512, 768>}]} {
    %get3A = arith.constant 0 : index
    %get3A_0 = arith.constant 0 : index
    %get3A_1 = vector.load %arg4[%get3A, %get3A_0] : memref<512x768xf32, #tpu.memory_space<vmem>>, vector<512x768xf32>
    %get3A_2 = arith.constant 0 : index
    %get3A_3 = arith.constant 0 : index
    %get3A_4 = vector.load %arg5[%get3A_2, %get3A_3] : memref<512x768xf32, #tpu.memory_space<vmem>>, vector<512x768xf32>
    %get3A_5 = arith.index_cast %arg1 : i32 to index
    %get3A_6 = arith.constant 0 : index
    %get3A_7 = vector.load %arg2[%get3A_5, %get3A_6] : memref<4x512xi32, #tpu.memory_space<vmem>>, vector<1x512xi32>
    %get3A_8 = vector.shape_cast %get3A_7 : vector<1x512xi32> to vector<512xi32>
    %ne3A = arith.constant 0 : i32
    %ne3A_9 = vector.broadcast %ne3A : i32 to vector<512xi32>
    %ne3A_10 = arith.cmpi ne, %get3A_8, %ne3A_9 : vector<512xi32>
    %convert_element_type3A = arith.extui %ne3A_10 : vector<512xi1> to vector<512xi32>
    %convert_element_type3A_11 = arith.sitofp %convert_element_type3A : vector<512xi32> to vector<512xf32>
    %broadcast_in_dim3A = vector.shape_cast %convert_element_type3A_11 : vector<512xf32> to vector<512x1xf32>
    %get3A_12 = arith.index_cast %arg1 : i32 to index
    %get3A_13 = arith.constant 0 : index
    %get3A_14 = vector.load %arg3[%get3A_12, %get3A_13] : memref<4x512xi32, #tpu.memory_space<vmem>>, vector<1x512xi32>
    %get3A_15 = vector.shape_cast %get3A_14 : vector<1x512xi32> to vector<512xi32>
    %convert_element_type3A_16 = arith.sitofp %get3A_15 : vector<512xi32> to vector<512xf32>
    %broadcast_in_dim3A_17 = vector.shape_cast %convert_element_type3A_16 : vector<512xf32> to vector<512x1xf32>
    %get3A_18 = arith.constant 0 : index
    %get3A_19 = arith.constant 0 : index
    %get3A_20 = vector.load %arg6[%get3A_18, %get3A_19] : memref<2x768xf32, #tpu.memory_space<vmem>>, vector<1x768xf32>
    %get3A_21 = arith.constant 1 : index
    %get3A_22 = arith.constant 0 : index
    %get3A_23 = vector.load %arg6[%get3A_21, %get3A_22] : memref<2x768xf32, #tpu.memory_space<vmem>>, vector<1x768xf32>
    %sub3A = arith.subf %get3A_23, %get3A_20 : vector<1x768xf32>
    %add3A = arith.addf %get3A_1, %get3A_4 : vector<512x768xf32>
    %mul3A = vector.broadcast %broadcast_in_dim3A : vector<512x1xf32> to vector<512x768xf32>
    %mul3A_24 = arith.mulf %add3A, %mul3A : vector<512x768xf32>
    %add3A_25 = vector.broadcast %get3A_20 : vector<1x768xf32> to vector<512x768xf32>
    %add3A_26 = arith.addf %mul3A_24, %add3A_25 : vector<512x768xf32>
    %mul3A_27 = vector.broadcast %broadcast_in_dim3A_17 : vector<512x1xf32> to vector<512x768xf32>
    %mul3A_28 = vector.broadcast %sub3A : vector<1x768xf32> to vector<512x768xf32>
    %mul3A_29 = arith.mulf %mul3A_27, %mul3A_28 : vector<512x768xf32>
    %add3A_30 = arith.addf %add3A_26, %mul3A_29 : vector<512x768xf32>
    %reduce_sum3A = arith.constant dense<0.000000e+00> : vector<512xf32>
    %reduce_sum3A_31 = vector.multi_reduction <add>, %add3A_30, %reduce_sum3A [1] : vector<512x768xf32> to vector<512xf32>
    %broadcast_in_dim3A_32 = vector.shape_cast %reduce_sum3A_31 : vector<512xf32> to vector<512x1xf32>
    %div3A = arith.constant 7.680000e+02 : f32
    %div3A_33 = vector.broadcast %div3A : f32 to vector<512x1xf32>
    %div3A_34 = arith.divf %broadcast_in_dim3A_32, %div3A_33 : vector<512x1xf32>
    %sub3A_35 = vector.broadcast %div3A_34 : vector<512x1xf32> to vector<512x768xf32>
    %sub3A_36 = arith.subf %add3A_30, %sub3A_35 : vector<512x768xf32>
    %mul3A_37 = arith.mulf %sub3A_36, %sub3A_36 : vector<512x768xf32>
    %reduce_sum3A_38 = arith.constant dense<0.000000e+00> : vector<512xf32>
    %reduce_sum3A_39 = vector.multi_reduction <add>, %mul3A_37, %reduce_sum3A_38 [1] : vector<512x768xf32> to vector<512xf32>
    %broadcast_in_dim3A_40 = vector.shape_cast %reduce_sum3A_39 : vector<512xf32> to vector<512x1xf32>
    %div3A_41 = arith.constant 7.680000e+02 : f32
    %div3A_42 = vector.broadcast %div3A_41 : f32 to vector<512x1xf32>
    %div3A_43 = arith.divf %broadcast_in_dim3A_40, %div3A_42 : vector<512x1xf32>
    %add3A_44 = arith.constant 9.99999974E-6 : f32
    %add3A_45 = vector.broadcast %add3A_44 : f32 to vector<512x1xf32>
    %add3A_46 = arith.addf %div3A_43, %add3A_45 : vector<512x1xf32>
    %rsqrt3A = math.rsqrt %add3A_46 : vector<512x1xf32>
    %mul3A_47 = vector.broadcast %rsqrt3A : vector<512x1xf32> to vector<512x768xf32>
    %mul3A_48 = arith.mulf %sub3A_36, %mul3A_47 : vector<512x768xf32>
    %get3A_49 = arith.constant 0 : index
    %get3A_50 = arith.constant 0 : index
    %get3A_51 = vector.load %arg7[%get3A_49, %get3A_50] : memref<1x768xf32, #tpu.memory_space<vmem>>, vector<1x768xf32>
    %mul3A_52 = vector.broadcast %get3A_51 : vector<1x768xf32> to vector<512x768xf32>
    %mul3A_53 = arith.mulf %mul3A_48, %mul3A_52 : vector<512x768xf32>
    %get3A_54 = arith.constant 0 : index
    %get3A_55 = arith.constant 0 : index
    %get3A_56 = vector.load %arg8[%get3A_54, %get3A_55] : memref<1x768xf32, #tpu.memory_space<vmem>>, vector<1x768xf32>
    %add3A_57 = vector.broadcast %get3A_56 : vector<1x768xf32> to vector<512x768xf32>
    %add3A_58 = arith.addf %mul3A_53, %add3A_57 : vector<512x768xf32>
    %swap3A = arith.constant 0 : index
    %swap3A_59 = arith.constant 0 : index
    %swap3A_60 = arith.constant 0 : index
    %swap3A_61 = vector.load %arg9[%swap3A, %swap3A_59, %swap3A_60] : memref<1x512x768xf32, #tpu.memory_space<vmem>>, vector<1x512x768xf32>
    %swap3A_62 = vector.shape_cast %swap3A_61 : vector<1x512x768xf32> to vector<512x768xf32>
    %swap3A_63 = vector.shape_cast %add3A_58 : vector<512x768xf32> to vector<1x512x768xf32>
    tpu.vector_store %arg9[%swap3A, %swap3A_59, %swap3A_60], %swap3A_63 {strides = array<i32>} : memref<1x512x768xf32, #tpu.memory_space<vmem>>, vector<1x512x768xf32>,
    return
  }
  func.func @transform_0(%arg0: i32, %arg1: i32) -> (i32, i32) {
    %add3A = arith.constant 0 : i32
    %add3A_0 = arith.addi %add3A, %arg0 : i32
    %c0_i32 = arith.constant 0 : i32
    %c0_i32_1 = arith.constant 0 : i32
    return %c0_i32, %add3A_0 : i32, i32
  }
  func.func @transform_1(%arg0: i32, %arg1: i32) -> (i32, i32) {
    %add3A = arith.constant 0 : i32
    %add3A_0 = arith.addi %add3A, %arg0 : i32
    %c0_i32 = arith.constant 0 : i32
    %c0_i32_1 = arith.constant 0 : i32
    return %c0_i32, %add3A_0 : i32, i32
  }
  func.func @transform_2(%arg0: i32, %arg1: i32) -> (i32, i32) {
    %mul3A = arith.constant 2 : i32
    %mul3A_0 = arith.muli %arg1, %mul3A : i32
    %add3A = arith.addi %mul3A_0, %arg0 : i32
    %c0_i32 = arith.constant 0 : i32
    %c0_i32_1 = arith.constant 0 : i32
    return %add3A, %c0_i32 : i32, i32
  }
  func.func @transform_3(%arg0: i32, %arg1: i32) -> (i32, i32) {
    %add3A = arith.constant 0 : i32
    %add3A_0 = arith.addi %add3A, %arg0 : i32
    %c0_i32 = arith.constant 0 : i32
    %c0_i32_1 = arith.constant 0 : i32
    return %add3A_0, %c0_i32 : i32, i32
  }
  func.func @transform_4(%arg0: i32, %arg1: i32) -> (i32, i32) {
    %c0_i32 = arith.constant 0 : i32
    %c0_i32_0 = arith.constant 0 : i32
    %c0_i32_1 = arith.constant 0 : i32
    return %c0_i32, %c0_i32_0 : i32, i32
  }
  func.func @transform_5(%arg0: i32, %arg1: i32) -> (i32, i32) {
    %c0_i32 = arith.constant 0 : i32
    %c0_i32_0 = arith.constant 0 : i32
    %c0_i32_1 = arith.constant 0 : i32
    return %c0_i32, %c0_i32_0 : i32, i32
  }
  func.func @transform_6(%arg0: i32, %arg1: i32) -> (i32, i32) {
    %c0_i32 = arith.constant 0 : i32
    %c0_i32_0 = arith.constant 0 : i32
    %c0_i32_1 = arith.constant 0 : i32
    return %c0_i32, %c0_i32_0 : i32, i32
  }
  func.func @transform_7(%arg0: i32, %arg1: i32) -> (i32, i32, i32) {
    %add3A = arith.constant 0 : i32
    %add3A_0 = arith.addi %add3A, %arg0 : i32
    %c0_i32 = arith.constant 0 : i32
    %c0_i32_1 = arith.constant 0 : i32
    return %arg1, %add3A_0, %c0_i32 : i32, i32, i32
  }
}

module attributes {stable_mosaic.version = 14 : i64} {
  func.func @body(%arg0: i32, %arg1: i32, %arg2: memref<4x512xi32, #tpu.memory_space<vmem>>, %arg3: memref<4x512xi32, #tpu.memory_space<vmem>>, %arg4: memref<512x768xf32, #tpu.memory_space<vmem>>, %arg5: memref<512x768xf32, #tpu.memory_space<vmem>>, %arg6: memref<2x768xf32, #tpu.memory_space<vmem>>, %arg7: memref<1x768xf32, #tpu.memory_space<vmem>>, %arg8: memref<1x768xf32, #tpu.memory_space<vmem>>, %arg9: memref<4x2048x768xf32, #tpu.memory_space<any>>, %arg10: memref<1x512x768xf32, #tpu.memory_space<vmem>>) attributes {dimension_semantics = [#tpu.dimension_semantics<arbitrary>, #tpu.dimension_semantics<arbitrary>], iteration_bounds = array<i64: 1, 4>, scalar_prefetch = 0 : i64, scratch_operands = 0 : i64, tpu.core_type = #tpu.core_type<tc>, window_params = [{transform_indices = @transform_0, window_bounds = array<i64: 4, 512>}, {transform_indices = @transform_1, window_bounds = array<i64: 4, 512>}, {transform_indices = @transform_2, window_bounds = array<i64: 512, 768>}, {transform_indices = @transform_3, window_bounds = array<i64: 512, 768>}, {pipeline_mode = #tpu.pipeline_mode<synchronous>, transform_indices = @transform_4, window_bounds = array<i64: 2, 768>}, {pipeline_mode = #tpu.pipeline_mode<synchronous>, transform_indices = @transform_5, window_bounds = array<i64: 1, 768>}, {pipeline_mode = #tpu.pipeline_mode<synchronous>, transform_indices = @transform_6, window_bounds = array<i64: 1, 768>}, {}, {transform_indices = @transform_8, window_bounds = array<i64: 1, 512, 768>}]} {
    %get3A = arith.constant 0 : index
    %get3A_0 = arith.constant 0 : index
    %get3A_1 = vector.load %arg4[%get3A, %get3A_0] : memref<512x768xf32, #tpu.memory_space<vmem>>, vector<512x768xf32>
    %get3A_2 = arith.constant 0 : index
    %get3A_3 = arith.constant 0 : index
    %get3A_4 = vector.load %arg5[%get3A_2, %get3A_3] : memref<512x768xf32, #tpu.memory_space<vmem>>, vector<512x768xf32>
    %get3A_5 = arith.index_cast %arg1 : i32 to index
    %get3A_6 = arith.constant 0 : index
    %get3A_7 = vector.load %arg2[%get3A_5, %get3A_6] : memref<4x512xi32, #tpu.memory_space<vmem>>, vector<1x512xi32>
    %get3A_8 = vector.shape_cast %get3A_7 : vector<1x512xi32> to vector<512xi32>
    %ne3A = arith.constant 0 : i32
    %ne3A_9 = vector.broadcast %ne3A : i32 to vector<512xi32>
    %ne3A_10 = arith.cmpi ne, %get3A_8, %ne3A_9 : vector<512xi32>
    %convert_element_type3A = arith.extui %ne3A_10 : vector<512xi1> to vector<512xi32>
    %convert_element_type3A_11 = arith.sitofp %convert_element_type3A : vector<512xi32> to vector<512xf32>
    %broadcast_in_dim3A = vector.shape_cast %convert_element_type3A_11 : vector<512xf32> to vector<512x1xf32>
    %get3A_12 = arith.index_cast %arg1 : i32 to index
    %get3A_13 = arith.constant 0 : index
    %get3A_14 = vector.load %arg3[%get3A_12, %get3A_13] : memref<4x512xi32, #tpu.memory_space<vmem>>, vector<1x512xi32>
    %get3A_15 = vector.shape_cast %get3A_14 : vector<1x512xi32> to vector<512xi32>
    %convert_element_type3A_16 = arith.sitofp %get3A_15 : vector<512xi32> to vector<512xf32>
    %broadcast_in_dim3A_17 = vector.shape_cast %convert_element_type3A_16 : vector<512xf32> to vector<512x1xf32>
    %get3A_18 = arith.constant 0 : index
    %get3A_19 = arith.constant 0 : index
    %get3A_20 = vector.load %arg6[%get3A_18, %get3A_19] : memref<2x768xf32, #tpu.memory_space<vmem>>, vector<1x768xf32>
    %get3A_21 = arith.constant 1 : index
    %get3A_22 = arith.constant 0 : index
    %get3A_23 = vector.load %arg6[%get3A_21, %get3A_22] : memref<2x768xf32, #tpu.memory_space<vmem>>, vector<1x768xf32>
    %sub3A = arith.subf %get3A_23, %get3A_20 : vector<1x768xf32>
    %add3A = arith.addf %get3A_1, %get3A_4 : vector<512x768xf32>
    %mul3A = vector.broadcast %broadcast_in_dim3A : vector<512x1xf32> to vector<512x768xf32>
    %mul3A_24 = arith.mulf %add3A, %mul3A : vector<512x768xf32>
    %add3A_25 = vector.broadcast %get3A_20 : vector<1x768xf32> to vector<512x768xf32>
    %add3A_26 = arith.addf %mul3A_24, %add3A_25 : vector<512x768xf32>
    %mul3A_27 = vector.broadcast %broadcast_in_dim3A_17 : vector<512x1xf32> to vector<512x768xf32>
    %mul3A_28 = vector.broadcast %sub3A : vector<1x768xf32> to vector<512x768xf32>
    %mul3A_29 = arith.mulf %mul3A_27, %mul3A_28 : vector<512x768xf32>
    %add3A_30 = arith.addf %add3A_26, %mul3A_29 : vector<512x768xf32>
    %reduce_sum3A = arith.constant dense<0.000000e+00> : vector<512xf32>
    %reduce_sum3A_31 = vector.multi_reduction <add>, %add3A_30, %reduce_sum3A [1] : vector<512x768xf32> to vector<512xf32>
    %broadcast_in_dim3A_32 = vector.shape_cast %reduce_sum3A_31 : vector<512xf32> to vector<512x1xf32>
    %div3A = arith.constant 7.680000e+02 : f32
    %div3A_33 = vector.broadcast %div3A : f32 to vector<512x1xf32>
    %div3A_34 = arith.divf %broadcast_in_dim3A_32, %div3A_33 : vector<512x1xf32>
    %sub3A_35 = vector.broadcast %div3A_34 : vector<512x1xf32> to vector<512x768xf32>
    %sub3A_36 = arith.subf %add3A_30, %sub3A_35 : vector<512x768xf32>
    %mul3A_37 = arith.mulf %sub3A_36, %sub3A_36 : vector<512x768xf32>
    %reduce_sum3A_38 = arith.constant dense<0.000000e+00> : vector<512xf32>
    %reduce_sum3A_39 = vector.multi_reduction <add>, %mul3A_37, %reduce_sum3A_38 [1] : vector<512x768xf32> to vector<512xf32>
    %broadcast_in_dim3A_40 = vector.shape_cast %reduce_sum3A_39 : vector<512xf32> to vector<512x1xf32>
    %div3A_41 = arith.constant 7.680000e+02 : f32
    %div3A_42 = vector.broadcast %div3A_41 : f32 to vector<512x1xf32>
    %div3A_43 = arith.divf %broadcast_in_dim3A_40, %div3A_42 : vector<512x1xf32>
    %add3A_44 = arith.constant 9.99999974E-6 : f32
    %add3A_45 = vector.broadcast %add3A_44 : f32 to vector<512x1xf32>
    %add3A_46 = arith.addf %div3A_43, %add3A_45 : vector<512x1xf32>
    %rsqrt3A = math.rsqrt %add3A_46 : vector<512x1xf32>
    %mul3A_47 = vector.broadcast %rsqrt3A : vector<512x1xf32> to vector<512x768xf32>
    %mul3A_48 = arith.mulf %sub3A_36, %mul3A_47 : vector<512x768xf32>
    %get3A_49 = arith.constant 0 : index
    %get3A_50 = arith.constant 0 : index
    %get3A_51 = vector.load %arg7[%get3A_49, %get3A_50] : memref<1x768xf32, #tpu.memory_space<vmem>>, vector<1x768xf32>
    %mul3A_52 = vector.broadcast %get3A_51 : vector<1x768xf32> to vector<512x768xf32>
    %mul3A_53 = arith.mulf %mul3A_48, %mul3A_52 : vector<512x768xf32>
    %get3A_54 = arith.constant 0 : index
    %get3A_55 = arith.constant 0 : index
    %get3A_56 = vector.load %arg8[%get3A_54, %get3A_55] : memref<1x768xf32, #tpu.memory_space<vmem>>, vector<1x768xf32>
    %add3A_57 = vector.broadcast %get3A_56 : vector<1x768xf32> to vector<512x768xf32>
    %add3A_58 = arith.addf %mul3A_53, %add3A_57 : vector<512x768xf32>
    %swap3A = arith.constant 0 : index
    %swap3A_59 = arith.constant 0 : index
    %swap3A_60 = arith.constant 0 : index
    %swap3A_61 = vector.load %arg10[%swap3A, %swap3A_59, %swap3A_60] : memref<1x512x768xf32, #tpu.memory_space<vmem>>, vector<1x512x768xf32>
    %swap3A_62 = vector.shape_cast %swap3A_61 : vector<1x512x768xf32> to vector<512x768xf32>
    %swap3A_63 = vector.shape_cast %add3A_58 : vector<512x768xf32> to vector<1x512x768xf32>
    tpu.vector_store %arg10[%swap3A, %swap3A_59, %swap3A_60], %swap3A_63 {strides = array<i32>} : memref<1x512x768xf32, #tpu.memory_space<vmem>>, vector<1x512x768xf32>,
    return
  }
  func.func @transform_0(%arg0: i32, %arg1: i32) -> (i32, i32) {
    %add3A = arith.constant 2 : i32
    %add3A_0 = arith.addi %add3A, %arg0 : i32
    %c0_i32 = arith.constant 0 : i32
    %c0_i32_1 = arith.constant 0 : i32
    return %c0_i32, %add3A_0 : i32, i32
  }
  func.func @transform_1(%arg0: i32, %arg1: i32) -> (i32, i32) {
    %add3A = arith.constant 2 : i32
    %add3A_0 = arith.addi %add3A, %arg0 : i32
    %c0_i32 = arith.constant 0 : i32
    %c0_i32_1 = arith.constant 0 : i32
    return %c0_i32, %add3A_0 : i32, i32
  }
  func.func @transform_2(%arg0: i32, %arg1: i32) -> (i32, i32) {
    %mul3A = arith.constant 1 : i32
    %mul3A_0 = arith.muli %arg1, %mul3A : i32
    %add3A = arith.addi %mul3A_0, %arg0 : i32
    %c0_i32 = arith.constant 0 : i32
    %c0_i32_1 = arith.constant 0 : i32
    return %add3A, %c0_i32 : i32, i32
  }
  func.func @transform_3(%arg0: i32, %arg1: i32) -> (i32, i32) {
    %add3A = arith.constant 2 : i32
    %add3A_0 = arith.addi %add3A, %arg0 : i32
    %c0_i32 = arith.constant 0 : i32
    %c0_i32_1 = arith.constant 0 : i32
    return %add3A_0, %c0_i32 : i32, i32
  }
  func.func @transform_4(%arg0: i32, %arg1: i32) -> (i32, i32) {
    %c0_i32 = arith.constant 0 : i32
    %c0_i32_0 = arith.constant 0 : i32
    %c0_i32_1 = arith.constant 0 : i32
    return %c0_i32, %c0_i32_0 : i32, i32
  }
  func.func @transform_5(%arg0: i32, %arg1: i32) -> (i32, i32) {
    %c0_i32 = arith.constant 0 : i32
    %c0_i32_0 = arith.constant 0 : i32
    %c0_i32_1 = arith.constant 0 : i32
    return %c0_i32, %c0_i32_0 : i32, i32
  }
  func.func @transform_6(%arg0: i32, %arg1: i32) -> (i32, i32) {
    %c0_i32 = arith.constant 0 : i32
    %c0_i32_0 = arith.constant 0 : i32
    %c0_i32_1 = arith.constant 0 : i32
    return %c0_i32, %c0_i32_0 : i32, i32
  }
  func.func @transform_8(%arg0: i32, %arg1: i32) -> (i32, i32, i32) {
    %add3A = arith.constant 2 : i32
    %add3A_0 = arith.addi %add3A, %arg0 : i32
    %c0_i32 = arith.constant 0 : i32
    %c0_i32_1 = arith.constant 0 : i32
    return %arg1, %add3A_0, %c0_i32 : i32, i32, i32
  }
}

module attributes {stable_mosaic.version = 14 : i64} {
  func.func @body(%arg0: i32, %arg1: i32, %arg2: memref<4x512xi32, #tpu.memory_space<vmem>>, %arg3: memref<4x512xi32, #tpu.memory_space<vmem>>, %arg4: memref<512x768xf32, #tpu.memory_space<vmem>>, %arg5: memref<512x768xf32, #tpu.memory_space<vmem>>, %arg6: memref<2x768xf32, #tpu.memory_space<vmem>>, %arg7: memref<1x768xf32, #tpu.memory_space<vmem>>, %arg8: memref<1x768xf32, #tpu.memory_space<vmem>>, %arg9: memref<4x2048x768xf32, #tpu.memory_space<any>>, %arg10: memref<1x512x768xf32, #tpu.memory_space<vmem>>) attributes {dimension_semantics = [#tpu.dimension_semantics<arbitrary>, #tpu.dimension_semantics<arbitrary>], iteration_bounds = array<i64: 1, 4>, scalar_prefetch = 0 : i64, scratch_operands = 0 : i64, tpu.core_type = #tpu.core_type<tc>, window_params = [{transform_indices = @transform_0, window_bounds = array<i64: 4, 512>}, {transform_indices = @transform_1, window_bounds = array<i64: 4, 512>}, {transform_indices = @transform_2, window_bounds = array<i64: 512, 768>}, {transform_indices = @transform_3, window_bounds = array<i64: 512, 768>}, {pipeline_mode = #tpu.pipeline_mode<synchronous>, transform_indices = @transform_4, window_bounds = array<i64: 2, 768>}, {pipeline_mode = #tpu.pipeline_mode<synchronous>, transform_indices = @transform_5, window_bounds = array<i64: 1, 768>}, {pipeline_mode = #tpu.pipeline_mode<synchronous>, transform_indices = @transform_6, window_bounds = array<i64: 1, 768>}, {}, {transform_indices = @transform_8, window_bounds = array<i64: 1, 512, 768>}]} {
    %get3A = arith.constant 0 : index
    %get3A_0 = arith.constant 0 : index
    %get3A_1 = vector.load %arg4[%get3A, %get3A_0] : memref<512x768xf32, #tpu.memory_space<vmem>>, vector<512x768xf32>
    %get3A_2 = arith.constant 0 : index
    %get3A_3 = arith.constant 0 : index
    %get3A_4 = vector.load %arg5[%get3A_2, %get3A_3] : memref<512x768xf32, #tpu.memory_space<vmem>>, vector<512x768xf32>
    %get3A_5 = arith.index_cast %arg1 : i32 to index
    %get3A_6 = arith.constant 0 : index
    %get3A_7 = vector.load %arg2[%get3A_5, %get3A_6] : memref<4x512xi32, #tpu.memory_space<vmem>>, vector<1x512xi32>
    %get3A_8 = vector.shape_cast %get3A_7 : vector<1x512xi32> to vector<512xi32>
    %ne3A = arith.constant 0 : i32
    %ne3A_9 = vector.broadcast %ne3A : i32 to vector<512xi32>
    %ne3A_10 = arith.cmpi ne, %get3A_8, %ne3A_9 : vector<512xi32>
    %convert_element_type3A = arith.extui %ne3A_10 : vector<512xi1> to vector<512xi32>
    %convert_element_type3A_11 = arith.sitofp %convert_element_type3A : vector<512xi32> to vector<512xf32>
    %broadcast_in_dim3A = vector.shape_cast %convert_element_type3A_11 : vector<512xf32> to vector<512x1xf32>
    %get3A_12 = arith.index_cast %arg1 : i32 to index
    %get3A_13 = arith.constant 0 : index
    %get3A_14 = vector.load %arg3[%get3A_12, %get3A_13] : memref<4x512xi32, #tpu.memory_space<vmem>>, vector<1x512xi32>
    %get3A_15 = vector.shape_cast %get3A_14 : vector<1x512xi32> to vector<512xi32>
    %convert_element_type3A_16 = arith.sitofp %get3A_15 : vector<512xi32> to vector<512xf32>
    %broadcast_in_dim3A_17 = vector.shape_cast %convert_element_type3A_16 : vector<512xf32> to vector<512x1xf32>
    %get3A_18 = arith.constant 0 : index
    %get3A_19 = arith.constant 0 : index
    %get3A_20 = vector.load %arg6[%get3A_18, %get3A_19] : memref<2x768xf32, #tpu.memory_space<vmem>>, vector<1x768xf32>
    %get3A_21 = arith.constant 1 : index
    %get3A_22 = arith.constant 0 : index
    %get3A_23 = vector.load %arg6[%get3A_21, %get3A_22] : memref<2x768xf32, #tpu.memory_space<vmem>>, vector<1x768xf32>
    %sub3A = arith.subf %get3A_23, %get3A_20 : vector<1x768xf32>
    %add3A = arith.addf %get3A_1, %get3A_4 : vector<512x768xf32>
    %mul3A = vector.broadcast %broadcast_in_dim3A : vector<512x1xf32> to vector<512x768xf32>
    %mul3A_24 = arith.mulf %add3A, %mul3A : vector<512x768xf32>
    %add3A_25 = vector.broadcast %get3A_20 : vector<1x768xf32> to vector<512x768xf32>
    %add3A_26 = arith.addf %mul3A_24, %add3A_25 : vector<512x768xf32>
    %mul3A_27 = vector.broadcast %broadcast_in_dim3A_17 : vector<512x1xf32> to vector<512x768xf32>
    %mul3A_28 = vector.broadcast %sub3A : vector<1x768xf32> to vector<512x768xf32>
    %mul3A_29 = arith.mulf %mul3A_27, %mul3A_28 : vector<512x768xf32>
    %add3A_30 = arith.addf %add3A_26, %mul3A_29 : vector<512x768xf32>
    %reduce_sum3A = arith.constant dense<0.000000e+00> : vector<512xf32>
    %reduce_sum3A_31 = vector.multi_reduction <add>, %add3A_30, %reduce_sum3A [1] : vector<512x768xf32> to vector<512xf32>
    %broadcast_in_dim3A_32 = vector.shape_cast %reduce_sum3A_31 : vector<512xf32> to vector<512x1xf32>
    %div3A = arith.constant 7.680000e+02 : f32
    %div3A_33 = vector.broadcast %div3A : f32 to vector<512x1xf32>
    %div3A_34 = arith.divf %broadcast_in_dim3A_32, %div3A_33 : vector<512x1xf32>
    %sub3A_35 = vector.broadcast %div3A_34 : vector<512x1xf32> to vector<512x768xf32>
    %sub3A_36 = arith.subf %add3A_30, %sub3A_35 : vector<512x768xf32>
    %mul3A_37 = arith.mulf %sub3A_36, %sub3A_36 : vector<512x768xf32>
    %reduce_sum3A_38 = arith.constant dense<0.000000e+00> : vector<512xf32>
    %reduce_sum3A_39 = vector.multi_reduction <add>, %mul3A_37, %reduce_sum3A_38 [1] : vector<512x768xf32> to vector<512xf32>
    %broadcast_in_dim3A_40 = vector.shape_cast %reduce_sum3A_39 : vector<512xf32> to vector<512x1xf32>
    %div3A_41 = arith.constant 7.680000e+02 : f32
    %div3A_42 = vector.broadcast %div3A_41 : f32 to vector<512x1xf32>
    %div3A_43 = arith.divf %broadcast_in_dim3A_40, %div3A_42 : vector<512x1xf32>
    %add3A_44 = arith.constant 9.99999974E-6 : f32
    %add3A_45 = vector.broadcast %add3A_44 : f32 to vector<512x1xf32>
    %add3A_46 = arith.addf %div3A_43, %add3A_45 : vector<512x1xf32>
    %rsqrt3A = math.rsqrt %add3A_46 : vector<512x1xf32>
    %mul3A_47 = vector.broadcast %rsqrt3A : vector<512x1xf32> to vector<512x768xf32>
    %mul3A_48 = arith.mulf %sub3A_36, %mul3A_47 : vector<512x768xf32>
    %get3A_49 = arith.constant 0 : index
    %get3A_50 = arith.constant 0 : index
    %get3A_51 = vector.load %arg7[%get3A_49, %get3A_50] : memref<1x768xf32, #tpu.memory_space<vmem>>, vector<1x768xf32>
    %mul3A_52 = vector.broadcast %get3A_51 : vector<1x768xf32> to vector<512x768xf32>
    %mul3A_53 = arith.mulf %mul3A_48, %mul3A_52 : vector<512x768xf32>
    %get3A_54 = arith.constant 0 : index
    %get3A_55 = arith.constant 0 : index
    %get3A_56 = vector.load %arg8[%get3A_54, %get3A_55] : memref<1x768xf32, #tpu.memory_space<vmem>>, vector<1x768xf32>
    %add3A_57 = vector.broadcast %get3A_56 : vector<1x768xf32> to vector<512x768xf32>
    %add3A_58 = arith.addf %mul3A_53, %add3A_57 : vector<512x768xf32>
    %swap3A = arith.constant 0 : index
    %swap3A_59 = arith.constant 0 : index
    %swap3A_60 = arith.constant 0 : index
    %swap3A_61 = vector.load %arg10[%swap3A, %swap3A_59, %swap3A_60] : memref<1x512x768xf32, #tpu.memory_space<vmem>>, vector<1x512x768xf32>
    %swap3A_62 = vector.shape_cast %swap3A_61 : vector<1x512x768xf32> to vector<512x768xf32>
    %swap3A_63 = vector.shape_cast %add3A_58 : vector<512x768xf32> to vector<1x512x768xf32>
    tpu.vector_store %arg10[%swap3A, %swap3A_59, %swap3A_60], %swap3A_63 {strides = array<i32>} : memref<1x512x768xf32, #tpu.memory_space<vmem>>, vector<1x512x768xf32>,
    return
  }
  func.func @transform_0(%arg0: i32, %arg1: i32) -> (i32, i32) {
    %add3A = arith.constant 3 : i32
    %add3A_0 = arith.addi %add3A, %arg0 : i32
    %c0_i32 = arith.constant 0 : i32
    %c0_i32_1 = arith.constant 0 : i32
    return %c0_i32, %add3A_0 : i32, i32
  }
  func.func @transform_1(%arg0: i32, %arg1: i32) -> (i32, i32) {
    %add3A = arith.constant 3 : i32
    %add3A_0 = arith.addi %add3A, %arg0 : i32
    %c0_i32 = arith.constant 0 : i32
    %c0_i32_1 = arith.constant 0 : i32
    return %c0_i32, %add3A_0 : i32, i32
  }
  func.func @transform_2(%arg0: i32, %arg1: i32) -> (i32, i32) {
    %mul3A = arith.constant 1 : i32
    %mul3A_0 = arith.muli %arg1, %mul3A : i32
    %add3A = arith.addi %mul3A_0, %arg0 : i32
    %c0_i32 = arith.constant 0 : i32
    %c0_i32_1 = arith.constant 0 : i32
    return %add3A, %c0_i32 : i32, i32
  }
  func.func @transform_3(%arg0: i32, %arg1: i32) -> (i32, i32) {
    %add3A = arith.constant 3 : i32
    %add3A_0 = arith.addi %add3A, %arg0 : i32
    %c0_i32 = arith.constant 0 : i32
    %c0_i32_1 = arith.constant 0 : i32
    return %add3A_0, %c0_i32 : i32, i32
  }
  func.func @transform_4(%arg0: i32, %arg1: i32) -> (i32, i32) {
    %c0_i32 = arith.constant 0 : i32
    %c0_i32_0 = arith.constant 0 : i32
    %c0_i32_1 = arith.constant 0 : i32
    return %c0_i32, %c0_i32_0 : i32, i32
  }
  func.func @transform_5(%arg0: i32, %arg1: i32) -> (i32, i32) {
    %c0_i32 = arith.constant 0 : i32
    %c0_i32_0 = arith.constant 0 : i32
    %c0_i32_1 = arith.constant 0 : i32
    return %c0_i32, %c0_i32_0 : i32, i32
  }
  func.func @transform_6(%arg0: i32, %arg1: i32) -> (i32, i32) {
    %c0_i32 = arith.constant 0 : i32
    %c0_i32_0 = arith.constant 0 : i32
    %c0_i32_1 = arith.constant 0 : i32
    return %c0_i32, %c0_i32_0 : i32, i32
  }
  func.func @transform_8(%arg0: i32, %arg1: i32) -> (i32, i32, i32) {
    %add3A = arith.constant 3 : i32
    %add3A_0 = arith.addi %add3A, %arg0 : i32
    %c0_i32 = arith.constant 0 : i32
    %c0_i32_1 = arith.constant 0 : i32
    return %arg1, %add3A_0, %c0_i32 : i32, i32, i32
  }
}

</mosaic_0001>

<sc_bundles>
// kernel: kernel.11.cloned.1.call-start
scs
__scs_entry_jumppad:
0x0: {  	(pc) =	sbr.rel $0x88, $3  }
0x1: {  	(tag) =	ssettag $0x0;
	lr =	simm.s32 $0x1  }
0x2: {  	[smem:$0x3F9A] =	sst lr;
	_ =	strace $0xD0000000  }
0x3: {  	_ = 	snop  }
0x4: {  	_ = 	snop  }
0x5: {  	_ = 	snop  }
0x6: {  	_ = 	snop  }
0x7: {  	_ = 	snop  }
__scs_overlays_trampoline_lowered:
0x8: {  	[smem:$0x3FA9] =	sst s0  }
0x9: {  	[smem:$0x3FAA] =	sst s1  }
0xa: {  	[smem:$0x3FAB] =	sst s2  }
0xb: {  	[smem:$0x3FAC] =	sst s3  }
0xc: {  	[smem:$0x3FAD] =	sst s4  }
0xd: {  	[smem:$0x3FAE] =	sst s5  }
0xe: {  	[smem:$0x3FAF] =	sst s6  }
0xf: {  	[smem:$0x3FB0] =	sst s7  }
0x10: {  	[smem:$0x3FB1] =	sst s8  }
0x11: {  	[smem:$0x3FB2] =	sst s9;
	s0 =	simm.s32 @!p0 $0x0  }
0x12: {  	s1 =	sld [smem:$0x3F98];
	s0 =	simm.s32 @p0 $0x1  }
0x13: {  	[smem:$0x3FB3] =	sst s0;
	s0 =	simm.s32 @!p1 $0x0  }
0x14: {  	s2 =	sld [smem:$0x3F97];
	s0 =	simm.s32 @p1 $0x1  }
0x15: {  	[smem:$0x3FB4] =	sst s0;
	s0 =	simm.s32 @!p2 $0x0  }
0x16: {  	s3 =	sld [smem:$0x3FDB];
	s0 =	simm.s32 @p2 $0x1  }
0x17: {  	s4 =	simm.s32 $0x1BF5;
	[smem:$0x3FB6] =	sst s0  }
0x18: {  	s0 =	sld [smem:$0x3F99];
	_ =	swait.ge [sflag:s4], $0x0  }
0x19: {  	s7 =	sld [smem:$0x3F9A]  }
0x1a: {  	s8 =	sadd.s32 $0xFFFFE003, lr  }
0x1b: {  	s9 =	sadd.s32 $0xFFFFFEF7, lr;
	s5 =	simm.s32 $0xFFFFFFFF;
	p2 =	slt.u32 s8, $0xFFFFF086  }
0x1c: {  	p1 =	slt.u32 s9, $0xF7A;
	s5 =	simm.s32 @!p2 $0x0  }
0x1d: {  	s5 =	simm.s32 @p1 $0x1;
	p0 =	seq.s32 s7, s2  }
0x1e: {  	s7 =	smul.u32 @!p0 $0xF7A, s2;
	p2 =	seq.s32 @!p0 s5, $0x0  }
0x1f: {  	s9 =	smul.u32 $0xF7A, s1;
	s8 =	simm.s32 @!p0 $0x1BF5;
	p2 =	por !p2, p0  }
0x20: {  	[sflag:s8] =	ssyncset.s32 @!p0 $0xFFFFF086;
	s6 =	sadd.s32 @!p0 s3, s7;
	s7 =	simm.s32 @!p0 $0x108  }
0x21: {  	s3 =	sadd.s32 s3, s9;
	s6 =	sadd.s32 @!p0 $0x88, s6;
	s7 =	simm.s32 @p2 $0x1082  }
0x22: {  	[simem:s7], [sflag:s8] =	dma.local @!p0 [hbm:s6], $0xF7A  }
0x23: {  	s9 =	sor.u32 $0xD0000000, s2;
	s6 =	simm.s32 $0x108;
	_ =	swait.ge @!p0 [sflag:s8], $0x0  }
0x24: {  	s3 =	sadd.s32 $0x88, s3;
	s6 =	simm.s32 @!p1 $0x1082;
	[sflag:s4] =	ssyncset.s32 $0xFFFFF086  }
0x25: {  	[simem:s6], [sflag:s4] =	dma.local [hbm:s3], $0xF7A  }
0x26: {  	[smem:$0x3F9A] =	sst s1;
	(tag) =	ssettag s2;
	_ =	strace s9  }
0x27: {  	s1 =	sld [smem:$0x3FAA]  }
0x28: {  	s2 =	sld [smem:$0x3FAB]  }
0x29: {  	s4 =	sld [smem:$0x3FAD]  }
0x2a: {  	p0 =	seq.s32 s5, $0x0;
	s5 =	sld [smem:$0x3FAE]  }
0x2b: {  	s6 =	sld [smem:$0x3FAF]  }
0x2c: {  	s7 =	sld [smem:$0x3FB0]  }
0x2d: {  	s3 =	simm.s32 $0x108;
	s8 =	sld [smem:$0x3FB1]  }
0x2e: {  	s3 =	simm.s32 @!p0 $0x1082;
	s9 =	sld [smem:$0x3FB2]  }
0x2f: {  	lr =	sadd.s32 s0, s3;
	s0 =	sld [smem:$0x3FA9]  }
0x30: {  	s3 =	sld [smem:$0x3FAC]  }
0x31: {  	[smem:$0x3FB5] =	sst s10  }
0x32: {  	s10 =	sld [smem:$0x3FB3];
	_ =	sdelay $0x3  }
0x33: {  	p0 =	seq.s32 s10, $0x1;
	s10 =	sld [smem:$0x3FB5];
	_ =	sdelay $0x3  }
0x34: {  	[smem:$0x3FB5] =	sst s10  }
0x35: {  	s10 =	sld [smem:$0x3FB4];
	_ =	sdelay $0x3  }
0x36: {  	p1 =	seq.s32 s10, $0x1;
	s10 =	sld [smem:$0x3FB5];
	_ =	sdelay $0x3  }
0x37: {  	[smem:$0x3FB5] =	sst s10  }
0x38: {  	s10 =	sld [smem:$0x3FB6]  }
0x39: {  	_ = 	snop;
	(pc) =	sbr.ind lr, $3  }
0x3a: {  	_ = 	snop  }
0x3b: {  	_ = 	snop  }
0x3c: {  	p2 =	seq.s32 s10, $0x1;
	s10 =	sld [smem:$0x3FB5]  }
0x3d: {  	_ =	shalt  }
0x3e: {  	_ =	shalt  }
0x3f: {  	_ =	shalt  }
0x40: {  	_ =	shalt  }
0x41: {  	_ =	shalt  }
0x42: {  	_ =	shalt  }
0x43: {  	_ =	shalt  }
0x44: {  	_ =	shalt  }
0x45: {  	_ =	shalt  }
0x46: {  	_ =	shalt  }
0x47: {  	_ =	shalt  }
0x48: {  	_ =	shalt  }
0x49: {  	_ =	shalt  }
0x4a: {  	_ =	shalt  }
0x4b: {  	_ =	shalt  }
0x4c: {  	_ =	shalt  }
0x4d: {  	_ =	shalt  }
0x4e: {  	_ =	shalt  }
0x4f: {  	_ =	shalt  }
0x50: {  	_ =	shalt  }
0x51: {  	_ =	shalt  }
0x52: {  	_ =	shalt  }
0x53: {  	_ =	shalt  }
0x54: {  	_ =	shalt  }
0x55: {  	_ =	shalt  }
0x56: {  	_ =	shalt  }
0x57: {  	_ =	shalt  }
0x58: {  	_ =	shalt  }
0x59: {  	_ =	shalt  }
0x5a: {  	_ =	shalt  }
0x5b: {  	_ =	shalt  }
0x5c: {  	_ =	shalt  }
0x5d: {  	_ =	shalt  }
0x5e: {  	_ =	shalt  }
0x5f: {  	_ =	shalt  }
0x60: {  	_ =	shalt  }
0x61: {  	_ =	shalt  }
0x62: {  	_ =	shalt  }
0x63: {  	_ =	shalt  }
0x64: {  	_ =	shalt  }
0x65: {  	_ =	shalt  }
0x66: {  	_ =	shalt  }
0x67: {  	_ =	shalt  }
0x68: {  	_ =	shalt  }
0x69: {  	_ =	shalt  }
0x6a: {  	_ =	shalt  }
0x6b: {  	_ =	shalt  }
0x6c: {  	_ =	shalt  }
0x6d: {  	_ =	shalt  }
0x6e: {  	_ =	shalt  }
0x6f: {  	_ =	shalt  }
0x70: {  	_ =	shalt  }
0x71: {  	_ =	shalt  }
0x72: {  	_ =	shalt  }
0x73: {  	_ =	shalt  }
0x74: {  	_ =	shalt  }
0x75: {  	_ =	shalt  }
0x76: {  	_ =	shalt  }
0x77: {  	_ =	shalt  }
0x78: {  	_ =	shalt  }
0x79: {  	_ =	shalt  }
0x7a: {  	_ =	shalt  }
0x7b: {  	_ =	shalt  }
0x7c: {  	_ =	shalt  }
0x7d: {  	_ =	shalt  }
0x7e: {  	_ =	shalt  }
0x7f: {  	_ =	shalt  }
0x80: {  	_ =	shalt  }
0x81: {  	_ =	shalt  }
0x82: {  	_ =	shalt  }
0x83: {  	_ =	shalt  }
0x84: {  	_ =	shalt  }
0x85: {  	_ =	shalt  }
0x86: {  	_ =	shalt  }
0x87: {  	_ =	shalt  }
.Lfunc_end0:
.L_simem_size_0:
called_computation.1_lowered:
.L_overlay_start_0:
0x88: {  	s2 =	sld [smem:$0x3FD9]  }
0x89: {  	s3 =	sld [smem:$0x3FFE];
	_ =	sdelay $0x1  }
0x8a: {  	s1 =	srdreg.scid  }
0x8b: {  	s0 =	sand.u32 $0x1, s1  }
0x8c: {  	s17 =	sshll.u32 s0, $0xA;
	s2 =	sadd.s32 s3, s2  }
0x8d: {  	s2 =	sadd.s32 s2, s17  }
0x8e: {  	[smem:$0x3FC1] =	sst s2  }
0x8f: {  	_ = 	snop  }
0x90: {  	s18 =	sld [smem:$0x3FC7];
	(tm) =	ssettm $0x1  }
0x91: {  	s19 =	sld [smem:$0x3FFB];
	_ =	sdelay $0x3  }
0x92: {  	_ =	strace s19  }
0x93: {  	s2 =	sld [smem:$0x3FFC];
	_ =	sdelay $0x3  }
0x94: {  	_ =	strace s2  }
0x95: {  	s2 =	sld [smem:$0x3FFD];
	_ =	sdelay $0x3  }
0x96: {  	_ =	strace s2  }
0x97: {  	_ =	strace $0x8FFFFFFF  }
0x98: {  	s20 =	sld [smem:$0x3FDB];
	_ =	sdelay $0x1  }
0x99: {  	s4 =	simm.s32 $_scs_section_size  }
0x9a: {  	s5 =	simm.s32 $_size__tile_overlayer_lowered;
	s6 =	simm.s32 $_tile_overlayer_lowered  }
0x9b: {  	s7 =	simm.s32 $0x1BFF;
	s21 =	sshll.u32 s6, $0x1;
	s4 =	sadd.s32 s4, s20  }
0x9c: {  	s22 =	simm.s32 $0x0;
	s5 =	sshll.u32 s5, $0x1;
	s6 =	sadd.s32 s21, s4  }
0x9d: {  	[timem:s22], [sflag:s7] =	dma.local [hbm:s6], s5  }
0x9e: {  	_ =	swait.ge [sflag:s7], s5  }
0x9f: {  	s5 =	ssub.s32 $0x0, s5;
	[sflag:s7] =	ssyncset.done $0x0  }
0xa0: {  	[sflag:s7] =	ssyncadd.s32 s5;
	_ =	sdelay $0x1  }
0xa1: {  	s23 =	simm.s32 $0x1B8B  }
0xa2: {  	_ =	swait.ge [sflag:s23], $0x1  }
0xa3: {  	[sflag:s23] =	ssyncset.done $0x0  }
0xa4: {  	[sflag:s23] =	ssyncadd.s32 $0xFFFFFFFF  }
0xa5: {  	s5 =	sld [smem:$0x0]  }
0xa6: {  	s6 =	sand.u32 $0xFFFFFFFE, s1  }
0xa7: {  	p0 =	sne.s32 s1, s6  }
0xa8: {  	s6 =	sshll.u32 @p0 s6, $0xE  }
0xa9: {  	s6 =	sadd.s32 @p0 $0x11B8D, s6;
	s7 =	sshll.u32 @p0 s5, $0x11  }
0xaa: {  	s6 =	sor.u32 @p0 s7, s6  }
0xab: {  	[sflag:s6] =	ssyncadd.remote.s32 @p0 $0x1;
	_ =	sdelay $0x1  }
0xac: {  	s6 =	simm.s32 @p0 $0x1B8D  }
0xad: {  	_ =	swait.eq @p0 [sflag:s6], $0x1  }
0xae: {  	[sflag:s6] =	ssyncadd.s32 @p0 $0xFFFFFFFF  }
0xaf: {  	s7 =	sshll.u32 @!p0 s1, $0xE  }
0xb0: {  	s7 =	sor.u32 @!p0 $0x4000, s7;
	s6 =	simm.s32 @!p0 $0x1B8D  }
0xb1: {  	s5 =	sshll.u32 @!p0 s5, $0x11;
	s7 =	sadd.s32 @!p0 $0x11B8D, s7;
	_ =	swait.eq @!p0 [sflag:s6], $0x1  }
0xb2: {  	s5 =	sor.u32 @!p0 s5, s7;
	[sflag:s6] =	ssyncadd.s32 @!p0 $0xFFFFFFFF  }
0xb3: {  	s25 =	simm.s32 $0x1B8E;
	s24 =	sld [smem:$0x3FFE];
	[sflag:s5] =	ssyncadd.remote.s32 @!p0 $0x1  }
0xb4: {  	s26 =	simm.s32 $execute0_lowered;
	[smem:$0x3FD2] =	sst s25  }
0xb5: {  	s6 =	sshll.u32 s26, $0x1;
	_ =	strace $0x80000049;
	[dreg:$0x1] =	wrdreg $0xFFFFFFFF  }
0xb6: {  	s28 =	simm.s32 $_size_execute0_lowered;
	s4 =	sadd.s32 s4, s6;
	[dreg:$0x0] =	wrdreg $0x0  }
0xb7: {  	s6 =	sshll.u32 s28, $0x1;
	[dreg:$0x2] =	wrdreg s4  }
0xb8: {  	[dreg:$0x3] =	wrdreg s6  }
0xb9: {  	[dreg:$0x4] =	wrdreg $0xC0  }
0xba: {  	_ =	task [dreg:s22], $0x5FFFF  }
0xbb: {  	[dreg:$0x1] =	wrdreg $0xFFFFFFFF  }
0xbc: {  	[dreg:$0x0] =	wrdreg $0x60  }
0xbd: {  	[dreg:$0x2] =	wrdreg s24  }
0xbe: {  	[dreg:$0x3] =	wrdreg s18  }
0xbf: {  	[dreg:$0x4] =	wrdreg $0xA  }
0xc0: {  	_ =	task.clear_ibuf [dreg:s22], $0x5FFFF;
	_ =	strace $0x90000049  }
0xc1: {  	s29 =	simm.s32 $0xA;
	_ =	strace $0x8000004B  }
0xc2: {  	_ =	swait.ge [sflag:s29], $0x1  }
0xc3: {  	[sflag:s29] =	ssyncadd.s32 $0xFFFFFFFF  }
0xc4: {  	_ =	strace $0x9000004B  }
0xc5: {  	_ =	sfence  }
0xc6: {  	s30 =	sld [smem:$0x0];
	_ =	sdelay $0x2  }
0xc7: {  	s31 =	sshll.u32 s1, $0xD;
	s1 =	sshrl.u32 s1, $0x2  }
0xc8: {  	s4 =	sand.u32 $0x4000, s31;
	s1 =	sadd.s32 s1, s30  }
0xc9: {  	s0 =	sor.u32 s4, s0;
	s1 =	sshll.u32 s1, $0x11  }
0xca: {  	s0 =	sor.u32 s1, s0  }
0xcb: {  	s0 =	sadd.s32 $0x8F2B, s0  }
0xcc: {  	[sflag:s0] =	ssyncadd.remote.s32 $0x1  }
0xcd: {  	_ =	sfence.sel $0xFFFF  }
0xce: {  	[dreg:$0x0] =	wrdreg $0xFFFFFFFF;
	(pc) =	sbr.abs _section_cstart, $3  }
0xcf: {  	[dreg:$0x1] =	wrdreg $0xFFFFFFFF  }
0xd0: {  	_ =	task.clear_ibuf [dreg:s22], $0x2FFFF;
	_ =	strace $0x9FFFFFFF  }
0xd1: {  	(tm) =	ssettm $0x7FFFFFFF  }
tec
execute0_lowered:
.L_overlay_start_1:
0x0: {  	(tag) =	ssettag $0x1  }
0x1: {  	s1 =	rddreg [dreg:$0x0];
	s3 =	srdreg.scid  }
0x2: {  	s0 =	stileid.u32;
	s2 =	rddreg [dreg:$0x1]  }
0x3: {  	s23 =	simm.s32 $0x880;
	s24 =	simm.s32 $0x1080;
	s25 =	simm.s32 $0x1880  }
0x4: {  	s26 =	simm.s32 $0x2080;
	s10 =	simm.s32 $0x3080;
	s11 =	simm.s32 $0x3880  }
0x5: {  	s12 =	simm.s32 $0x4080;
	s13 =	simm.s32 $0x4880;
	s14 =	simm.s32 $0x5080  }
0x6: {  	s15 =	simm.s32 $0x5880;
	s16 =	simm.s32 $0x6080;
	s17 =	simm.s32 $0x6880  }
0x7: {  	s18 =	simm.s32 $0x7080;
	s28 =	simm.s32 $0xB880;
	s29 =	simm.s32 $0x1  }
0x8: {  	s30 =	simm.s32 $0x2;
	s31 =	simm.s32 $0x3;
	s4 =	sand.u32 $0x1, s3  }
0x9: {  	s19 =	sshll.u32 s0, $0x1;
	s3 =	simm.s32 $0x0;
	s6 =	sshll.u32 s0, $0x6  }
0xa: {  	s5 =	sor.u32 s4, s19;
	[smem:$0x7FF] =	sst s3;
	s4 =	ssub.s32 $0x2, s4  }
0xb: {  	s19 =	simm.s32 $0x7880;
	_ =	strace $0x8000004A;
	[dreg:$0x6] =	wrdreg s23  }
0xc: {  	s7 =	sshll.u32 s5, $0x3;
	s20 =	smul.u32 $0xC000, s5;
	[dreg:$0x7] =	wrdreg s24  }
0xd: {  	s8 =	sshrl.u32 s4, $0x1;
	s5 =	smul.u32 $0x1800, s5;
	[dreg:$0x8] =	wrdreg s25  }
0xe: {  	[dreg:$0x9] =	wrdreg s26;
	s23 =	simm.s32 $0x9880;
	s24 =	simm.s32 $0xA080  }
0xf: {  	s25 =	simm.s32 $0xA880;
	s26 =	simm.s32 $0xB080;
	s6 =	sor.u32 s7, s6  }
0x10: {  	s8 =	ssub.s32 s4, s8;
	s4 =	sadd.s32 $0x100, s2;
	s6 =	sand.u32 $0x338, s6  }
0x11: {  	s7 =	simm.s32 $0x5;
	s22 =	sshrl.u32 s20, $0x3;
	s6 =	sadd.s32 s6, s1  }
0x12: {  	s20 =	simm.s32 $0x8080;
	s1 =	sadd.s32 $0x2200, s1;
	s21 =	sadd.s32 $0x1E80, s6  }
0x13: {  	s5 =	sadd.s32 s1, s5;
	s1 =	sadd.s32 s1, s22;
	s6 =	smax.u32 s8, $0x1  }
0x14: {  	v2 =	vlaneseq.u32;
	s8 =	simm.s32 $0x80;
	s22 =	simm.s32 $0x9080;
	[dreg:$0x3] =	wrdreg s21  }
0x15: {  	vm0 =	vmmov $0xffff;
	v1 =	vshrl.u32 v2, $0x3;
	[dreg:$0x4] =	wrdreg s5;
	s1 =	sadd.s32 $0xC00, s1;
	s5 =	sadd.s32 $0x200, s2  }
0x16: {  	v0 =	vand.u32 $0x7, v2;
	v2 =	vor.u32 $0x8, v2;
	v1 =	vmul.u32 $0x8, v1;
	s21 =	simm.s32 $0x8880;
	[dreg:$0x5] =	wrdreg s1;
	s1 =	simm.s32 $0x4  }
.LBB2_1:
0x17: {  	s0 =	rddreg [dreg:$0x3]  }
0x18: {  	[tilespmem:s3], [sflag:$0x5] =	stream.linear.gather [hbm4b:s0+s3], $0x40, $0x38;
	[tilespmem:$0xC080] =	vst v63  }
0x19: {  	_ =	swait.ge [sflag:s7], $0x40  }
0x1a: {  	[sflag:s7] =	ssyncset.done $0x0  }
0x1b: {  	[sflag:s7] =	ssyncadd.s32 $0xFFFFFFC0  }
0x1c: {  	v3 =	vld [tilespmem:$0x0];
	_ =	sdelay $0x4  }
0x1d: {  	v4 =	vshrl.u32 v3, $0x3  }
0x1e: {  	v4 =	vmul.u32 $0x30, v4  }
0x1f: {  	v3 =	vand.u32 $0x7, v3  }
0x20: {  	v3 =	vor.u32 v3, v4  }
0x21: {  	v4 =	vperm.xlane v3, v0;
	_ =	sdelay $0x1  }
0x22: {  	v4 =	vadd.s32 v1, v4;
	_ =	sdelay $0x3  }
0x23: {  	v3 =	vperm.xlane v3, v2  }
0x24: {  	[tilespmem:s8], [sflag:$0x1] =	stream.indirect_vreg.gather [hbm4b:s2+s3], $0x80, v4, vm0, $0xb8;
	[tilespmem:$0xC080] =	vst v63  }
0x25: {  	s0 =	rddreg [dreg:$0x6];
	v3 =	vadd.s32 v1, v3  }
0x26: {  	[tilespmem:s0], [sflag:$0x1] =	stream.indirect_vreg.gather [hbm4b:s4+s3], $0x80, v4, vm0, $0xb8;
	[tilespmem:$0xC080] =	vst v63  }
0x27: {  	s9 =	rddreg [dreg:$0x7]  }
0x28: {  	[tilespmem:s9], [sflag:$0x1] =	stream.indirect_vreg.gather [hbm4b:s5+s3], $0x80, v4, vm0, $0xb8;
	[tilespmem:$0xC080] =	vst v63  }
0x29: {  	s0 =	rddreg [dreg:$0x8]  }
0x2a: {  	[tilespmem:s0], [sflag:$0x1] =	stream.indirect_vreg.gather [hbm4b:s2+s3], $0x80, v3, vm0, $0xb8;
	[tilespmem:$0xC080] =	vst v63  }
0x2b: {  	s9 =	rddreg [dreg:$0x9]  }
0x2c: {  	[tilespmem:s9], [sflag:$0x1] =	stream.indirect_vreg.gather [hbm4b:s4+s3], $0x80, v3, vm0, $0xb8;
	[tilespmem:$0xC080] =	vst v63  }
0x2d: {  	s9 =	simm.s32 $0x2880  }
0x2e: {  	[tilespmem:s9], [sflag:$0x1] =	stream.indirect_vreg.gather [hbm4b:s5+s3], $0x80, v3, vm0, $0xb8;
	[tilespmem:$0xC080] =	vst v63  }
0x2f: {  	v3 =	vld [tilespmem:$0x10];
	_ =	sdelay $0x4  }
0x30: {  	v61 =	vshrl.u32 v3, $0x3  }
0x31: {  	v4 =	vmul.u32 $0x30, v61  }
0x32: {  	v3 =	vand.u32 $0x7, v3  }
0x33: {  	v3 =	vor.u32 v3, v4  }
0x34: {  	v4 =	vperm.xlane v3, v0;
	_ =	sdelay $0x1  }
0x35: {  	v4 =	vadd.s32 v1, v4;
	_ =	sdelay $0x3  }
0x36: {  	v3 =	vperm.xlane v3, v2  }
0x37: {  	[tilespmem:s10], [sflag:$0x1] =	stream.indirect_vreg.gather [hbm4b:s2+s3], $0x80, v4, vm0, $0xb8;
	[tilespmem:$0xC080] =	vst v63  }
0x38: {  	v3 =	vadd.s32 v1, v3  }
0x39: {  	[tilespmem:s11], [sflag:$0x1] =	stream.indirect_vreg.gather [hbm4b:s4+s3], $0x80, v4, vm0, $0xb8;
	[tilespmem:$0xC080] =	vst v63  }
0x3a: {  	_ = 	snop  }
0x3b: {  	[tilespmem:s12], [sflag:$0x1] =	stream.indirect_vreg.gather [hbm4b:s5+s3], $0x80, v4, vm0, $0xb8;
	[tilespmem:$0xC080] =	vst v63  }
0x3c: {  	_ = 	snop  }
0x3d: {  	[tilespmem:s13], [sflag:$0x1] =	stream.indirect_vreg.gather [hbm4b:s2+s3], $0x80, v3, vm0, $0xb8;
	[tilespmem:$0xC080] =	vst v63  }
0x3e: {  	_ = 	snop  }
0x3f: {  	[tilespmem:s14], [sflag:$0x1] =	stream.indirect_vreg.gather [hbm4b:s4+s3], $0x80, v3, vm0, $0xb8;
	[tilespmem:$0xC080] =	vst v63  }
0x40: {  	_ = 	snop  }
0x41: {  	[tilespmem:s15], [sflag:$0x1] =	stream.indirect_vreg.gather [hbm4b:s5+s3], $0x80, v3, vm0, $0xb8;
	[tilespmem:$0xC080] =	vst v63  }
0x42: {  	v3 =	vld [tilespmem:$0x20];
	_ =	sdelay $0x4  }
0x43: {  	v62 =	vshrl.u32 v3, $0x3  }
0x44: {  	v4 =	vmul.u32 $0x30, v62  }
0x45: {  	v3 =	vand.u32 $0x7, v3  }
0x46: {  	v3 =	vor.u32 v3, v4  }
0x47: {  	v4 =	vperm.xlane v3, v0;
	_ =	sdelay $0x1  }
0x48: {  	v4 =	vadd.s32 v1, v4;
	_ =	sdelay $0x3  }
0x49: {  	v3 =	vperm.xlane v3, v2  }
0x4a: {  	[tilespmem:s16], [sflag:$0x2] =	stream.indirect_vreg.gather [hbm4b:s2+s3], $0x80, v4, vm0, $0xb8;
	[tilespmem:$0xC080] =	vst v63  }
0x4b: {  	v3 =	vadd.s32 v1, v3  }
0x4c: {  	[tilespmem:s17], [sflag:$0x2] =	stream.indirect_vreg.gather [hbm4b:s4+s3], $0x80, v4, vm0, $0xb8;
	[tilespmem:$0xC080] =	vst v63  }
0x4d: {  	_ = 	snop  }
0x4e: {  	[tilespmem:s18], [sflag:$0x2] =	stream.indirect_vreg.gather [hbm4b:s5+s3], $0x80, v4, vm0, $0xb8;
	[tilespmem:$0xC080] =	vst v63  }
0x4f: {  	_ = 	snop  }
0x50: {  	[tilespmem:s19], [sflag:$0x2] =	stream.indirect_vreg.gather [hbm4b:s2+s3], $0x80, v3, vm0, $0xb8;
	[tilespmem:$0xC080] =	vst v63  }
0x51: {  	_ = 	snop  }
0x52: {  	[tilespmem:s20], [sflag:$0x2] =	stream.indirect_vreg.gather [hbm4b:s4+s3], $0x80, v3, vm0, $0xb8;
	[tilespmem:$0xC080] =	vst v63  }
0x53: {  	_ = 	snop  }
0x54: {  	[tilespmem:s21], [sflag:$0x2] =	stream.indirect_vreg.gather [hbm4b:s5+s3], $0x80, v3, vm0, $0xb8;
	[tilespmem:$0xC080] =	vst v63  }
0x55: {  	v3 =	vld [tilespmem:$0x30];
	_ =	sdelay $0x4  }
0x56: {  	v63 =	vshrl.u32 v3, $0x3  }
0x57: {  	v4 =	vmul.u32 $0x30, v63  }
0x58: {  	v3 =	vand.u32 $0x7, v3  }
0x59: {  	v3 =	vor.u32 v3, v4  }
0x5a: {  	v4 =	vperm.xlane v3, v0;
	_ =	sdelay $0x1  }
0x5b: {  	v4 =	vadd.s32 v1, v4;
	_ =	sdelay $0x3  }
0x5c: {  	v3 =	vperm.xlane v3, v2  }
0x5d: {  	[tilespmem:s22], [sflag:$0x2] =	stream.indirect_vreg.gather [hbm4b:s2+s3], $0x80, v4, vm0, $0xb8;
	[tilespmem:$0xC080] =	vst v63  }
0x5e: {  	v3 =	vadd.s32 v1, v3  }
0x5f: {  	[tilespmem:s23], [sflag:$0x2] =	stream.indirect_vreg.gather [hbm4b:s4+s3], $0x80, v4, vm0, $0xb8;
	[tilespmem:$0xC080] =	vst v63  }
0x60: {  	_ = 	snop  }
0x61: {  	[tilespmem:s24], [sflag:$0x2] =	stream.indirect_vreg.gather [hbm4b:s5+s3], $0x80, v4, vm0, $0xb8;
	[tilespmem:$0xC080] =	vst v63  }
0x62: {  	_ = 	snop  }
0x63: {  	[tilespmem:s25], [sflag:$0x2] =	stream.indirect_vreg.gather [hbm4b:s2+s3], $0x80, v3, vm0, $0xb8;
	[tilespmem:$0xC080] =	vst v63  }
0x64: {  	_ = 	snop  }
0x65: {  	[tilespmem:s26], [sflag:$0x2] =	stream.indirect_vreg.gather [hbm4b:s4+s3], $0x80, v3, vm0, $0xb8;
	[tilespmem:$0xC080] =	vst v63  }
0x66: {  	_ = 	snop  }
0x67: {  	[tilespmem:s28], [sflag:$0x2] =	stream.indirect_vreg.gather [hbm4b:s5+s3], $0x80, v3, vm0, $0xb8;
	[tilespmem:$0xC080] =	vst v63  }
0x68: {  	_ =	swait.ge [sflag:s29], $0x6000  }
0x69: {  	[sflag:s29] =	ssyncset.done $0x0  }
0x6a: {  	s9 =	rddreg [dreg:$0x4];
	[sflag:s29] =	ssyncadd.s32 $0xFFFFA000  }
0x6b: {  	[hbm4b:s9+s3] =	stream.linear.scatter [tilespmem:s8], [sflag:$0x3], $0x6000, $0x38;
	[tilespmem:$0xC080] =	vst v63  }
0x6c: {  	_ =	swait.ge [sflag:s30], $0x6000  }
0x6d: {  	[sflag:s30] =	ssyncset.done $0x0  }
0x6e: {  	s9 =	rddreg [dreg:$0x5];
	[sflag:s30] =	ssyncadd.s32 $0xFFFFA000  }
0x6f: {  	[hbm4b:s9+s3] =	stream.linear.scatter [tilespmem:s16], [sflag:$0x4], $0x6000, $0x38;
	[tilespmem:$0xC080] =	vst v63  }
0x70: {  	p0 =	sne.s32 s6, $0x1;
	_ =	swait.ge [sflag:s31], $0x6000  }
.Ltmp0:
0x71: {  	[sflag:s31] =	ssyncset.done $0x0;
	(pc) =	sbr.rel @p0 .LBB2_1-.Ltmp0, $4  }
0x72: {  	[sflag:s31] =	ssyncadd.s32 $0xFFFFA000  }
0x73: {  	_ =	swait.ge [sflag:s1], $0x6000  }
0x74: {  	[sflag:s1] =	ssyncset.done $0x0  }
0x75: {  	s6 =	sadd.s32 $0xFFFFFFFF, s6;
	[sflag:s1] =	ssyncadd.s32 $0xFFFFA000  }
0x76: {  	_ =	sfence.sel $0x180000  }
0x77: {  	[bflag:$0x0] =	sbarrier.arrive $0xFFFF  }
0x78: {  	_ =	strace $0x9000004A  }
0x79: {  	s0 =	stileid.u32;
	[bflag:$0x2] =	sbarrier.arrive $0xFFFF  }
0x7a: {  	p0 =	sne.s32 s0, $0x0;
	s0 =	rddreg [dreg:$0x2]  }
0x7b: {  	s0 =	sadd.s32 @!p0 $0x100000, s0  }
0x7c: {  	[sflag:s0] =	ssyncadd.tile.s32 @!p0 $0x1;
	_ =	shalt  }
.Lfunc_end2:
_tile_overlayer_lowered:
.L_overlay_start_2:
0x7d: {  	(tag) =	ssettag $0x2  }
0x7e: {  	s0 =	rddreg [dreg:$0x0];
	s2 =	stileid.u32  }
0x7f: {  	s1 =	rddreg [dreg:$0x1];
	p0 =	sne.s32 s2, $0x0  }
0x80: {  	s3 =	rddreg [dreg:$0x2];
	[bflag:$0x3] =	sbarrier.arrive $0xFFFF;
	s2 =	simm.s32 @!p0 $0x1C05  }
0x81: {  	[timem:s3], [sflag:s2] =	dma.local @!p0 [hbm:s0], s1  }
0x82: {  	s0 =	simm.s32 @!p0 $0x5  }
0x83: {  	_ =	swait.ge @!p0 [sflag:s0], s1  }
0x84: {  	s1 =	ssub.s32 @!p0 $0x0, s1;
	[sflag:s0] =	ssyncset.done @!p0 $0x0  }
0x85: {  	[sflag:s0] =	ssyncadd.s32 @!p0 s1  }
0x86: {  	[bflag:$0x3] =	sbarrier.arrive $0xFFFF  }
0x87: {  	_ =	shalt  }

// kernel: kernel.14.cloned.1.call-start
scs
__scs_entry_jumppad:
0x0: {  	(pc) =	sbr.rel $0x88, $3  }
0x1: {  	(tag) =	ssettag $0x0;
	lr =	simm.s32 $0x1  }
0x2: {  	[smem:$0x3F9A] =	sst lr;
	_ =	strace $0xD0000000  }
0x3: {  	_ = 	snop  }
0x4: {  	_ = 	snop  }
0x5: {  	_ = 	snop  }
0x6: {  	_ = 	snop  }
0x7: {  	_ = 	snop  }
__scs_overlays_trampoline_lowered:
0x8: {  	[smem:$0x3FA9] =	sst s0  }
0x9: {  	[smem:$0x3FAA] =	sst s1  }
0xa: {  	[smem:$0x3FAB] =	sst s2  }
0xb: {  	[smem:$0x3FAC] =	sst s3  }
0xc: {  	[smem:$0x3FAD] =	sst s4  }
0xd: {  	[smem:$0x3FAE] =	sst s5  }
0xe: {  	[smem:$0x3FAF] =	sst s6  }
0xf: {  	[smem:$0x3FB0] =	sst s7  }
0x10: {  	[smem:$0x3FB1] =	sst s8  }
0x11: {  	[smem:$0x3FB2] =	sst s9;
	s0 =	simm.s32 @!p0 $0x0  }
0x12: {  	s1 =	sld [smem:$0x3F98];
	s0 =	simm.s32 @p0 $0x1  }
0x13: {  	[smem:$0x3FB3] =	sst s0;
	s0 =	simm.s32 @!p1 $0x0  }
0x14: {  	s2 =	sld [smem:$0x3F97];
	s0 =	simm.s32 @p1 $0x1  }
0x15: {  	[smem:$0x3FB4] =	sst s0;
	s0 =	simm.s32 @!p2 $0x0  }
0x16: {  	s3 =	sld [smem:$0x3FDB];
	s0 =	simm.s32 @p2 $0x1  }
0x17: {  	s4 =	simm.s32 $0x1BF5;
	[smem:$0x3FB6] =	sst s0  }
0x18: {  	s0 =	sld [smem:$0x3F99];
	_ =	swait.ge [sflag:s4], $0x0  }
0x19: {  	s7 =	sld [smem:$0x3F9A]  }
0x1a: {  	s8 =	sadd.s32 $0xFFFFE003, lr  }
0x1b: {  	s9 =	sadd.s32 $0xFFFFFEF7, lr;
	s5 =	simm.s32 $0xFFFFFFFF;
	p2 =	slt.u32 s8, $0xFFFFF086  }
0x1c: {  	p1 =	slt.u32 s9, $0xF7A;
	s5 =	simm.s32 @!p2 $0x0  }
0x1d: {  	s5 =	simm.s32 @p1 $0x1;
	p0 =	seq.s32 s7, s2  }
0x1e: {  	s7 =	smul.u32 @!p0 $0xF7A, s2;
	p2 =	seq.s32 @!p0 s5, $0x0  }
0x1f: {  	s9 =	smul.u32 $0xF7A, s1;
	s8 =	simm.s32 @!p0 $0x1BF5;
	p2 =	por !p2, p0  }
0x20: {  	[sflag:s8] =	ssyncset.s32 @!p0 $0xFFFFF086;
	s6 =	sadd.s32 @!p0 s3, s7;
	s7 =	simm.s32 @!p0 $0x108  }
0x21: {  	s3 =	sadd.s32 s3, s9;
	s6 =	sadd.s32 @!p0 $0x88, s6;
	s7 =	simm.s32 @p2 $0x1082  }
0x22: {  	[simem:s7], [sflag:s8] =	dma.local @!p0 [hbm:s6], $0xF7A  }
0x23: {  	s9 =	sor.u32 $0xD0000000, s2;
	s6 =	simm.s32 $0x108;
	_ =	swait.ge @!p0 [sflag:s8], $0x0  }
0x24: {  	s3 =	sadd.s32 $0x88, s3;
	s6 =	simm.s32 @!p1 $0x1082;
	[sflag:s4] =	ssyncset.s32 $0xFFFFF086  }
0x25: {  	[simem:s6], [sflag:s4] =	dma.local [hbm:s3], $0xF7A  }
0x26: {  	[smem:$0x3F9A] =	sst s1;
	(tag) =	ssettag s2;
	_ =	strace s9  }
0x27: {  	s1 =	sld [smem:$0x3FAA]  }
0x28: {  	s2 =	sld [smem:$0x3FAB]  }
0x29: {  	s4 =	sld [smem:$0x3FAD]  }
0x2a: {  	p0 =	seq.s32 s5, $0x0;
	s5 =	sld [smem:$0x3FAE]  }
0x2b: {  	s6 =	sld [smem:$0x3FAF]  }
0x2c: {  	s7 =	sld [smem:$0x3FB0]  }
0x2d: {  	s3 =	simm.s32 $0x108;
	s8 =	sld [smem:$0x3FB1]  }
0x2e: {  	s3 =	simm.s32 @!p0 $0x1082;
	s9 =	sld [smem:$0x3FB2]  }
0x2f: {  	lr =	sadd.s32 s0, s3;
	s0 =	sld [smem:$0x3FA9]  }
0x30: {  	s3 =	sld [smem:$0x3FAC]  }
0x31: {  	[smem:$0x3FB5] =	sst s10  }
0x32: {  	s10 =	sld [smem:$0x3FB3];
	_ =	sdelay $0x3  }
0x33: {  	p0 =	seq.s32 s10, $0x1;
	s10 =	sld [smem:$0x3FB5];
	_ =	sdelay $0x3  }
0x34: {  	[smem:$0x3FB5] =	sst s10  }
0x35: {  	s10 =	sld [smem:$0x3FB4];
	_ =	sdelay $0x3  }
0x36: {  	p1 =	seq.s32 s10, $0x1;
	s10 =	sld [smem:$0x3FB5];
	_ =	sdelay $0x3  }
0x37: {  	[smem:$0x3FB5] =	sst s10  }
0x38: {  	s10 =	sld [smem:$0x3FB6]  }
0x39: {  	_ = 	snop;
	(pc) =	sbr.ind lr, $3  }
0x3a: {  	_ = 	snop  }
0x3b: {  	_ = 	snop  }
0x3c: {  	p2 =	seq.s32 s10, $0x1;
	s10 =	sld [smem:$0x3FB5]  }
0x3d: {  	_ =	shalt  }
0x3e: {  	_ =	shalt  }
0x3f: {  	_ =	shalt  }
0x40: {  	_ =	shalt  }
0x41: {  	_ =	shalt  }
0x42: {  	_ =	shalt  }
0x43: {  	_ =	shalt  }
0x44: {  	_ =	shalt  }
0x45: {  	_ =	shalt  }
0x46: {  	_ =	shalt  }
0x47: {  	_ =	shalt  }
0x48: {  	_ =	shalt  }
0x49: {  	_ =	shalt  }
0x4a: {  	_ =	shalt  }
0x4b: {  	_ =	shalt  }
0x4c: {  	_ =	shalt  }
0x4d: {  	_ =	shalt  }
0x4e: {  	_ =	shalt  }
0x4f: {  	_ =	shalt  }
0x50: {  	_ =	shalt  }
0x51: {  	_ =	shalt  }
0x52: {  	_ =	shalt  }
0x53: {  	_ =	shalt  }
0x54: {  	_ =	shalt  }
0x55: {  	_ =	shalt  }
0x56: {  	_ =	shalt  }
0x57: {  	_ =	shalt  }
0x58: {  	_ =	shalt  }
0x59: {  	_ =	shalt  }
0x5a: {  	_ =	shalt  }
0x5b: {  	_ =	shalt  }
0x5c: {  	_ =	shalt  }
0x5d: {  	_ =	shalt  }
0x5e: {  	_ =	shalt  }
0x5f: {  	_ =	shalt  }
0x60: {  	_ =	shalt  }
0x61: {  	_ =	shalt  }
0x62: {  	_ =	shalt  }
0x63: {  	_ =	shalt  }
0x64: {  	_ =	shalt  }
0x65: {  	_ =	shalt  }
0x66: {  	_ =	shalt  }
0x67: {  	_ =	shalt  }
0x68: {  	_ =	shalt  }
0x69: {  	_ =	shalt  }
0x6a: {  	_ =	shalt  }
0x6b: {  	_ =	shalt  }
0x6c: {  	_ =	shalt  }
0x6d: {  	_ =	shalt  }
0x6e: {  	_ =	shalt  }
0x6f: {  	_ =	shalt  }
0x70: {  	_ =	shalt  }
0x71: {  	_ =	shalt  }
0x72: {  	_ =	shalt  }
0x73: {  	_ =	shalt  }
0x74: {  	_ =	shalt  }
0x75: {  	_ =	shalt  }
0x76: {  	_ =	shalt  }
0x77: {  	_ =	shalt  }
0x78: {  	_ =	shalt  }
0x79: {  	_ =	shalt  }
0x7a: {  	_ =	shalt  }
0x7b: {  	_ =	shalt  }
0x7c: {  	_ =	shalt  }
0x7d: {  	_ =	shalt  }
0x7e: {  	_ =	shalt  }
0x7f: {  	_ =	shalt  }
0x80: {  	_ =	shalt  }
0x81: {  	_ =	shalt  }
0x82: {  	_ =	shalt  }
0x83: {  	_ =	shalt  }
0x84: {  	_ =	shalt  }
0x85: {  	_ =	shalt  }
0x86: {  	_ =	shalt  }
0x87: {  	_ =	shalt  }
.Lfunc_end0:
.L_simem_size_0:
called_computation.2_lowered:
.L_overlay_start_0:
0x88: {  	s2 =	sld [smem:$0x3FD9]  }
0x89: {  	s3 =	sld [smem:$0x3FFE];
	_ =	sdelay $0x1  }
0x8a: {  	s1 =	srdreg.scid  }
0x8b: {  	s0 =	sand.u32 $0x1, s1  }
0x8c: {  	s17 =	sshll.u32 s0, $0xA;
	s2 =	sadd.s32 s3, s2  }
0x8d: {  	s2 =	sadd.s32 s2, s17  }
0x8e: {  	[smem:$0x3FC1] =	sst s2  }
0x8f: {  	_ = 	snop  }
0x90: {  	s18 =	sld [smem:$0x3FC7];
	(tm) =	ssettm $0x1  }
0x91: {  	s19 =	sld [smem:$0x3FFB];
	_ =	sdelay $0x3  }
0x92: {  	_ =	strace s19  }
0x93: {  	s2 =	sld [smem:$0x3FFC];
	_ =	sdelay $0x3  }
0x94: {  	_ =	strace s2  }
0x95: {  	s2 =	sld [smem:$0x3FFD];
	_ =	sdelay $0x3  }
0x96: {  	_ =	strace s2  }
0x97: {  	_ =	strace $0x8FFFFFFF  }
0x98: {  	s20 =	sld [smem:$0x3FDB];
	_ =	sdelay $0x1  }
0x99: {  	s4 =	simm.s32 $_scs_section_size  }
0x9a: {  	s5 =	simm.s32 $_size__tile_overlayer_lowered;
	s6 =	simm.s32 $_tile_overlayer_lowered  }
0x9b: {  	s7 =	simm.s32 $0x1BFF;
	s21 =	sshll.u32 s6, $0x1;
	s4 =	sadd.s32 s4, s20  }
0x9c: {  	s22 =	simm.s32 $0x0;
	s5 =	sshll.u32 s5, $0x1;
	s6 =	sadd.s32 s21, s4  }
0x9d: {  	[timem:s22], [sflag:s7] =	dma.local [hbm:s6], s5  }
0x9e: {  	_ =	swait.ge [sflag:s7], s5  }
0x9f: {  	s5 =	ssub.s32 $0x0, s5;
	[sflag:s7] =	ssyncset.done $0x0  }
0xa0: {  	[sflag:s7] =	ssyncadd.s32 s5;
	_ =	sdelay $0x1  }
0xa1: {  	s23 =	simm.s32 $0x1B8B  }
0xa2: {  	_ =	swait.ge [sflag:s23], $0x1  }
0xa3: {  	[sflag:s23] =	ssyncset.done $0x0  }
0xa4: {  	[sflag:s23] =	ssyncadd.s32 $0xFFFFFFFF  }
0xa5: {  	s5 =	sld [smem:$0x0]  }
0xa6: {  	s6 =	sand.u32 $0xFFFFFFFE, s1  }
0xa7: {  	p0 =	sne.s32 s1, s6  }
0xa8: {  	s6 =	sshll.u32 @p0 s6, $0xE  }
0xa9: {  	s6 =	sadd.s32 @p0 $0x11B8D, s6;
	s7 =	sshll.u32 @p0 s5, $0x11  }
0xaa: {  	s6 =	sor.u32 @p0 s7, s6  }
0xab: {  	[sflag:s6] =	ssyncadd.remote.s32 @p0 $0x1;
	_ =	sdelay $0x1  }
0xac: {  	s6 =	simm.s32 @p0 $0x1B8D  }
0xad: {  	_ =	swait.eq @p0 [sflag:s6], $0x1  }
0xae: {  	[sflag:s6] =	ssyncadd.s32 @p0 $0xFFFFFFFF  }
0xaf: {  	s7 =	sshll.u32 @!p0 s1, $0xE  }
0xb0: {  	s7 =	sor.u32 @!p0 $0x4000, s7;
	s6 =	simm.s32 @!p0 $0x1B8D  }
0xb1: {  	s5 =	sshll.u32 @!p0 s5, $0x11;
	s7 =	sadd.s32 @!p0 $0x11B8D, s7;
	_ =	swait.eq @!p0 [sflag:s6], $0x1  }
0xb2: {  	s5 =	sor.u32 @!p0 s5, s7;
	[sflag:s6] =	ssyncadd.s32 @!p0 $0xFFFFFFFF  }
0xb3: {  	s25 =	simm.s32 $0x1B8E;
	s24 =	sld [smem:$0x3FFE];
	[sflag:s5] =	ssyncadd.remote.s32 @!p0 $0x1  }
0xb4: {  	s26 =	simm.s32 $execute0_lowered;
	[smem:$0x3FD2] =	sst s25  }
0xb5: {  	s6 =	sshll.u32 s26, $0x1;
	_ =	strace $0x8000004C;
	[dreg:$0x1] =	wrdreg $0xFFFFFFFF  }
0xb6: {  	s28 =	simm.s32 $_size_execute0_lowered;
	s4 =	sadd.s32 s4, s6;
	[dreg:$0x0] =	wrdreg $0x0  }
0xb7: {  	s6 =	sshll.u32 s28, $0x1;
	[dreg:$0x2] =	wrdreg s4  }
0xb8: {  	[dreg:$0x3] =	wrdreg s6  }
0xb9: {  	[dreg:$0x4] =	wrdreg $0xC0  }
0xba: {  	_ =	task [dreg:s22], $0x5FFFF  }
0xbb: {  	[dreg:$0x1] =	wrdreg $0xFFFFFFFF  }
0xbc: {  	[dreg:$0x0] =	wrdreg $0x60  }
0xbd: {  	[dreg:$0x2] =	wrdreg s24  }
0xbe: {  	[dreg:$0x3] =	wrdreg s18  }
0xbf: {  	[dreg:$0x4] =	wrdreg $0xB  }
0xc0: {  	_ =	task.clear_ibuf [dreg:s22], $0x5FFFF;
	_ =	strace $0x9000004C  }
0xc1: {  	s29 =	simm.s32 $0xB;
	_ =	strace $0x8000004E  }
0xc2: {  	_ =	swait.ge [sflag:s29], $0x1  }
0xc3: {  	[sflag:s29] =	ssyncadd.s32 $0xFFFFFFFF  }
0xc4: {  	_ =	strace $0x9000004E  }
0xc5: {  	_ =	sfence  }
0xc6: {  	s30 =	sld [smem:$0x0];
	_ =	sdelay $0x2  }
0xc7: {  	s31 =	sshll.u32 s1, $0xD;
	s1 =	sshrl.u32 s1, $0x2  }
0xc8: {  	s4 =	sand.u32 $0x4000, s31;
	s1 =	sadd.s32 s1, s30  }
0xc9: {  	s0 =	sor.u32 s4, s0;
	s1 =	sshll.u32 s1, $0x11  }
0xca: {  	s0 =	sor.u32 s1, s0  }
0xcb: {  	s0 =	sadd.s32 $0x8F2B, s0  }
0xcc: {  	[sflag:s0] =	ssyncadd.remote.s32 $0x1  }
0xcd: {  	_ =	sfence.sel $0xFFFF  }
0xce: {  	[dreg:$0x0] =	wrdreg $0xFFFFFFFF;
	(pc) =	sbr.abs _section_cstart, $3  }
0xcf: {  	[dreg:$0x1] =	wrdreg $0xFFFFFFFF  }
0xd0: {  	_ =	task.clear_ibuf [dreg:s22], $0x2FFFF;
	_ =	strace $0x9FFFFFFF  }
0xd1: {  	(tm) =	ssettm $0x7FFFFFFF  }
tec
execute0_lowered:
.L_overlay_start_1:
0x0: {  	(tag) =	ssettag $0x1  }
0x1: {  	s1 =	rddreg [dreg:$0x0];
	s3 =	srdreg.scid  }
0x2: {  	s0 =	stileid.u32;
	s2 =	rddreg [dreg:$0x1]  }
0x3: {  	s23 =	simm.s32 $0x880;
	s24 =	simm.s32 $0x1080;
	s25 =	simm.s32 $0x1880  }
0x4: {  	s26 =	simm.s32 $0x2080;
	s10 =	simm.s32 $0x3080;
	s11 =	simm.s32 $0x3880  }
0x5: {  	s12 =	simm.s32 $0x4080;
	s13 =	simm.s32 $0x4880;
	s14 =	simm.s32 $0x5080  }
0x6: {  	s15 =	simm.s32 $0x5880;
	s16 =	simm.s32 $0x6080;
	s17 =	simm.s32 $0x6880  }
0x7: {  	s18 =	simm.s32 $0x7080;
	s28 =	simm.s32 $0xB880;
	s29 =	simm.s32 $0x1  }
0x8: {  	s30 =	simm.s32 $0x2;
	s31 =	simm.s32 $0x3;
	s4 =	sand.u32 $0x1, s3  }
0x9: {  	s19 =	sshll.u32 s0, $0x1;
	s3 =	simm.s32 $0x0;
	s6 =	sshll.u32 s0, $0x6  }
0xa: {  	s5 =	sor.u32 s4, s19;
	[smem:$0x7FF] =	sst s3;
	s4 =	ssub.s32 $0x2, s4  }
0xb: {  	s19 =	simm.s32 $0x7880;
	_ =	strace $0x8000004D;
	[dreg:$0x6] =	wrdreg s23  }
0xc: {  	s7 =	sshll.u32 s5, $0x3;
	s20 =	smul.u32 $0xC000, s5;
	[dreg:$0x7] =	wrdreg s24  }
0xd: {  	s8 =	sshrl.u32 s4, $0x1;
	s5 =	smul.u32 $0x1800, s5;
	[dreg:$0x8] =	wrdreg s25  }
0xe: {  	[dreg:$0x9] =	wrdreg s26;
	s23 =	simm.s32 $0x9880;
	s24 =	simm.s32 $0xA080  }
0xf: {  	s25 =	simm.s32 $0xA880;
	s26 =	simm.s32 $0xB080;
	s6 =	sor.u32 s6, s7  }
0x10: {  	s8 =	ssub.s32 s4, s8;
	s4 =	sadd.s32 $0x100, s2;
	s6 =	sor.u32 $0xC0, s6  }
0x11: {  	s7 =	simm.s32 $0x5;
	s22 =	sshrl.u32 s20, $0x3;
	s6 =	sadd.s32 s6, s1  }
0x12: {  	s20 =	simm.s32 $0x8080;
	s1 =	sadd.s32 $0x32200, s1;
	s21 =	sadd.s32 $0x1E00, s6  }
0x13: {  	s5 =	sadd.s32 s1, s5;
	s1 =	sadd.s32 s1, s22;
	s6 =	smax.u32 s8, $0x1  }
0x14: {  	v2 =	vlaneseq.u32;
	s8 =	simm.s32 $0x80;
	s22 =	simm.s32 $0x9080;
	[dreg:$0x3] =	wrdreg s21  }
0x15: {  	vm0 =	vmmov $0xffff;
	v1 =	vshrl.u32 v2, $0x3;
	[dreg:$0x4] =	wrdreg s5;
	s1 =	sadd.s32 $0xC00, s1;
	s5 =	sadd.s32 $0x200, s2  }
0x16: {  	v0 =	vand.u32 $0x7, v2;
	v2 =	vor.u32 $0x8, v2;
	v1 =	vmul.u32 $0x8, v1;
	s21 =	simm.s32 $0x8880;
	[dreg:$0x5] =	wrdreg s1;
	s1 =	simm.s32 $0x4  }
.LBB2_1:
0x17: {  	s0 =	rddreg [dreg:$0x3]  }
0x18: {  	[tilespmem:s3], [sflag:$0x5] =	stream.linear.gather [hbm4b:s0+s3], $0x40, $0x38;
	[tilespmem:$0xC080] =	vst v63  }
0x19: {  	_ =	swait.ge [sflag:s7], $0x40  }
0x1a: {  	[sflag:s7] =	ssyncset.done $0x0  }
0x1b: {  	[sflag:s7] =	ssyncadd.s32 $0xFFFFFFC0  }
0x1c: {  	v3 =	vld [tilespmem:$0x0];
	_ =	sdelay $0x4  }
0x1d: {  	v4 =	vshrl.u32 v3, $0x3  }
0x1e: {  	v4 =	vmul.u32 $0x30, v4  }
0x1f: {  	v3 =	vand.u32 $0x7, v3  }
0x20: {  	v3 =	vor.u32 v3, v4  }
0x21: {  	v4 =	vperm.xlane v3, v0;
	_ =	sdelay $0x1  }
0x22: {  	v4 =	vadd.s32 v1, v4;
	_ =	sdelay $0x3  }
0x23: {  	v3 =	vperm.xlane v3, v2  }
0x24: {  	[tilespmem:s8], [sflag:$0x1] =	stream.indirect_vreg.gather [hbm4b:s2+s3], $0x80, v4, vm0, $0xb8;
	[tilespmem:$0xC080] =	vst v63  }
0x25: {  	s0 =	rddreg [dreg:$0x6];
	v3 =	vadd.s32 v1, v3  }
0x26: {  	[tilespmem:s0], [sflag:$0x1] =	stream.indirect_vreg.gather [hbm4b:s4+s3], $0x80, v4, vm0, $0xb8;
	[tilespmem:$0xC080] =	vst v63  }
0x27: {  	s9 =	rddreg [dreg:$0x7]  }
0x28: {  	[tilespmem:s9], [sflag:$0x1] =	stream.indirect_vreg.gather [hbm4b:s5+s3], $0x80, v4, vm0, $0xb8;
	[tilespmem:$0xC080] =	vst v63  }
0x29: {  	s0 =	rddreg [dreg:$0x8]  }
0x2a: {  	[tilespmem:s0], [sflag:$0x1] =	stream.indirect_vreg.gather [hbm4b:s2+s3], $0x80, v3, vm0, $0xb8;
	[tilespmem:$0xC080] =	vst v63  }
0x2b: {  	s9 =	rddreg [dreg:$0x9]  }
0x2c: {  	[tilespmem:s9], [sflag:$0x1] =	stream.indirect_vreg.gather [hbm4b:s4+s3], $0x80, v3, vm0, $0xb8;
	[tilespmem:$0xC080] =	vst v63  }
0x2d: {  	s9 =	simm.s32 $0x2880  }
0x2e: {  	[tilespmem:s9], [sflag:$0x1] =	stream.indirect_vreg.gather [hbm4b:s5+s3], $0x80, v3, vm0, $0xb8;
	[tilespmem:$0xC080] =	vst v63  }
0x2f: {  	v3 =	vld [tilespmem:$0x10];
	_ =	sdelay $0x4  }
0x30: {  	v61 =	vshrl.u32 v3, $0x3  }
0x31: {  	v4 =	vmul.u32 $0x30, v61  }
0x32: {  	v3 =	vand.u32 $0x7, v3  }
0x33: {  	v3 =	vor.u32 v3, v4  }
0x34: {  	v4 =	vperm.xlane v3, v0;
	_ =	sdelay $0x1  }
0x35: {  	v4 =	vadd.s32 v1, v4;
	_ =	sdelay $0x3  }
0x36: {  	v3 =	vperm.xlane v3, v2  }
0x37: {  	[tilespmem:s10], [sflag:$0x1] =	stream.indirect_vreg.gather [hbm4b:s2+s3], $0x80, v4, vm0, $0xb8;
	[tilespmem:$0xC080] =	vst v63  }
0x38: {  	v3 =	vadd.s32 v1, v3  }
0x39: {  	[tilespmem:s11], [sflag:$0x1] =	stream.indirect_vreg.gather [hbm4b:s4+s3], $0x80, v4, vm0, $0xb8;
	[tilespmem:$0xC080] =	vst v63  }
0x3a: {  	_ = 	snop  }
0x3b: {  	[tilespmem:s12], [sflag:$0x1] =	stream.indirect_vreg.gather [hbm4b:s5+s3], $0x80, v4, vm0, $0xb8;
	[tilespmem:$0xC080] =	vst v63  }
0x3c: {  	_ = 	snop  }
0x3d: {  	[tilespmem:s13], [sflag:$0x1] =	stream.indirect_vreg.gather [hbm4b:s2+s3], $0x80, v3, vm0, $0xb8;
	[tilespmem:$0xC080] =	vst v63  }
0x3e: {  	_ = 	snop  }
0x3f: {  	[tilespmem:s14], [sflag:$0x1] =	stream.indirect_vreg.gather [hbm4b:s4+s3], $0x80, v3, vm0, $0xb8;
	[tilespmem:$0xC080] =	vst v63  }
0x40: {  	_ = 	snop  }
0x41: {  	[tilespmem:s15], [sflag:$0x1] =	stream.indirect_vreg.gather [hbm4b:s5+s3], $0x80, v3, vm0, $0xb8;
	[tilespmem:$0xC080] =	vst v63  }
0x42: {  	v3 =	vld [tilespmem:$0x20];
	_ =	sdelay $0x4  }
0x43: {  	v62 =	vshrl.u32 v3, $0x3  }
0x44: {  	v4 =	vmul.u32 $0x30, v62  }
0x45: {  	v3 =	vand.u32 $0x7, v3  }
0x46: {  	v3 =	vor.u32 v3, v4  }
0x47: {  	v4 =	vperm.xlane v3, v0;
	_ =	sdelay $0x1  }
0x48: {  	v4 =	vadd.s32 v1, v4;
	_ =	sdelay $0x3  }
0x49: {  	v3 =	vperm.xlane v3, v2  }
0x4a: {  	[tilespmem:s16], [sflag:$0x2] =	stream.indirect_vreg.gather [hbm4b:s2+s3], $0x80, v4, vm0, $0xb8;
	[tilespmem:$0xC080] =	vst v63  }
0x4b: {  	v3 =	vadd.s32 v1, v3  }
0x4c: {  	[tilespmem:s17], [sflag:$0x2] =	stream.indirect_vreg.gather [hbm4b:s4+s3], $0x80, v4, vm0, $0xb8;
	[tilespmem:$0xC080] =	vst v63  }
0x4d: {  	_ = 	snop  }
0x4e: {  	[tilespmem:s18], [sflag:$0x2] =	stream.indirect_vreg.gather [hbm4b:s5+s3], $0x80, v4, vm0, $0xb8;
	[tilespmem:$0xC080] =	vst v63  }
0x4f: {  	_ = 	snop  }
0x50: {  	[tilespmem:s19], [sflag:$0x2] =	stream.indirect_vreg.gather [hbm4b:s2+s3], $0x80, v3, vm0, $0xb8;
	[tilespmem:$0xC080] =	vst v63  }
0x51: {  	_ = 	snop  }
0x52: {  	[tilespmem:s20], [sflag:$0x2] =	stream.indirect_vreg.gather [hbm4b:s4+s3], $0x80, v3, vm0, $0xb8;
	[tilespmem:$0xC080] =	vst v63  }
0x53: {  	_ = 	snop  }
0x54: {  	[tilespmem:s21], [sflag:$0x2] =	stream.indirect_vreg.gather [hbm4b:s5+s3], $0x80, v3, vm0, $0xb8;
	[tilespmem:$0xC080] =	vst v63  }
0x55: {  	v3 =	vld [tilespmem:$0x30];
	_ =	sdelay $0x4  }
0x56: {  	v63 =	vshrl.u32 v3, $0x3  }
0x57: {  	v4 =	vmul.u32 $0x30, v63  }
0x58: {  	v3 =	vand.u32 $0x7, v3  }
0x59: {  	v3 =	vor.u32 v3, v4  }
0x5a: {  	v4 =	vperm.xlane v3, v0;
	_ =	sdelay $0x1  }
0x5b: {  	v4 =	vadd.s32 v1, v4;
	_ =	sdelay $0x3  }
0x5c: {  	v3 =	vperm.xlane v3, v2  }
0x5d: {  	[tilespmem:s22], [sflag:$0x2] =	stream.indirect_vreg.gather [hbm4b:s2+s3], $0x80, v4, vm0, $0xb8;
	[tilespmem:$0xC080] =	vst v63  }
0x5e: {  	v3 =	vadd.s32 v1, v3  }
0x5f: {  	[tilespmem:s23], [sflag:$0x2] =	stream.indirect_vreg.gather [hbm4b:s4+s3], $0x80, v4, vm0, $0xb8;
	[tilespmem:$0xC080] =	vst v63  }
0x60: {  	_ = 	snop  }
0x61: {  	[tilespmem:s24], [sflag:$0x2] =	stream.indirect_vreg.gather [hbm4b:s5+s3], $0x80, v4, vm0, $0xb8;
	[tilespmem:$0xC080] =	vst v63  }
0x62: {  	_ = 	snop  }
0x63: {  	[tilespmem:s25], [sflag:$0x2] =	stream.indirect_vreg.gather [hbm4b:s2+s3], $0x80, v3, vm0, $0xb8;
	[tilespmem:$0xC080] =	vst v63  }
0x64: {  	_ = 	snop  }
0x65: {  	[tilespmem:s26], [sflag:$0x2] =	stream.indirect_vreg.gather [hbm4b:s4+s3], $0x80, v3, vm0, $0xb8;
	[tilespmem:$0xC080] =	vst v63  }
0x66: {  	_ = 	snop  }
0x67: {  	[tilespmem:s28], [sflag:$0x2] =	stream.indirect_vreg.gather [hbm4b:s5+s3], $0x80, v3, vm0, $0xb8;
	[tilespmem:$0xC080] =	vst v63  }
0x68: {  	_ =	swait.ge [sflag:s29], $0x6000  }
0x69: {  	[sflag:s29] =	ssyncset.done $0x0  }
0x6a: {  	s9 =	rddreg [dreg:$0x4];
	[sflag:s29] =	ssyncadd.s32 $0xFFFFA000  }
0x6b: {  	[hbm4b:s9+s3] =	stream.linear.scatter [tilespmem:s8], [sflag:$0x3], $0x6000, $0x38;
	[tilespmem:$0xC080] =	vst v63  }
0x6c: {  	_ =	swait.ge [sflag:s30], $0x6000  }
0x6d: {  	[sflag:s30] =	ssyncset.done $0x0  }
0x6e: {  	s9 =	rddreg [dreg:$0x5];
	[sflag:s30] =	ssyncadd.s32 $0xFFFFA000  }
0x6f: {  	[hbm4b:s9+s3] =	stream.linear.scatter [tilespmem:s16], [sflag:$0x4], $0x6000, $0x38;
	[tilespmem:$0xC080] =	vst v63  }
0x70: {  	p0 =	sne.s32 s6, $0x1;
	_ =	swait.ge [sflag:s31], $0x6000  }
.Ltmp0:
0x71: {  	[sflag:s31] =	ssyncset.done $0x0;
	(pc) =	sbr.rel @p0 .LBB2_1-.Ltmp0, $4  }
0x72: {  	[sflag:s31] =	ssyncadd.s32 $0xFFFFA000  }
0x73: {  	_ =	swait.ge [sflag:s1], $0x6000  }
0x74: {  	[sflag:s1] =	ssyncset.done $0x0  }
0x75: {  	s6 =	sadd.s32 $0xFFFFFFFF, s6;
	[sflag:s1] =	ssyncadd.s32 $0xFFFFA000  }
0x76: {  	_ =	sfence.sel $0x180000  }
0x77: {  	[bflag:$0x0] =	sbarrier.arrive $0xFFFF  }
0x78: {  	_ =	strace $0x9000004D  }
0x79: {  	s0 =	stileid.u32;
	[bflag:$0x2] =	sbarrier.arrive $0xFFFF  }
0x7a: {  	p0 =	sne.s32 s0, $0x0;
	s0 =	rddreg [dreg:$0x2]  }
0x7b: {  	s0 =	sadd.s32 @!p0 $0x100000, s0  }
0x7c: {  	[sflag:s0] =	ssyncadd.tile.s32 @!p0 $0x1;
	_ =	shalt  }
.Lfunc_end2:
_tile_overlayer_lowered:
.L_overlay_start_2:
0x7d: {  	(tag) =	ssettag $0x2  }
0x7e: {  	s0 =	rddreg [dreg:$0x0];
	s2 =	stileid.u32  }
0x7f: {  	s1 =	rddreg [dreg:$0x1];
	p0 =	sne.s32 s2, $0x0  }
0x80: {  	s3 =	rddreg [dreg:$0x2];
	[bflag:$0x3] =	sbarrier.arrive $0xFFFF;
	s2 =	simm.s32 @!p0 $0x1C05  }
0x81: {  	[timem:s3], [sflag:s2] =	dma.local @!p0 [hbm:s0], s1  }
0x82: {  	s0 =	simm.s32 @!p0 $0x5  }
0x83: {  	_ =	swait.ge @!p0 [sflag:s0], s1  }
0x84: {  	s1 =	ssub.s32 @!p0 $0x0, s1;
	[sflag:s0] =	ssyncset.done @!p0 $0x0  }
0x85: {  	[sflag:s0] =	ssyncadd.s32 @!p0 s1  }
0x86: {  	[bflag:$0x3] =	sbarrier.arrive $0xFFFF  }
0x87: {  	_ =	shalt  }

// kernel: kernel.8.cloned.1.call-start
scs
__scs_entry_jumppad:
0x0: {  	(pc) =	sbr.rel $0x88, $3  }
0x1: {  	(tag) =	ssettag $0x0;
	lr =	simm.s32 $0x1  }
0x2: {  	[smem:$0x3F9A] =	sst lr;
	_ =	strace $0xD0000000  }
0x3: {  	_ = 	snop  }
0x4: {  	_ = 	snop  }
0x5: {  	_ = 	snop  }
0x6: {  	_ = 	snop  }
0x7: {  	_ = 	snop  }
__scs_overlays_trampoline_lowered:
0x8: {  	[smem:$0x3FA9] =	sst s0  }
0x9: {  	[smem:$0x3FAA] =	sst s1  }
0xa: {  	[smem:$0x3FAB] =	sst s2  }
0xb: {  	[smem:$0x3FAC] =	sst s3  }
0xc: {  	[smem:$0x3FAD] =	sst s4  }
0xd: {  	[smem:$0x3FAE] =	sst s5  }
0xe: {  	[smem:$0x3FAF] =	sst s6  }
0xf: {  	[smem:$0x3FB0] =	sst s7  }
0x10: {  	[smem:$0x3FB1] =	sst s8  }
0x11: {  	[smem:$0x3FB2] =	sst s9;
	s0 =	simm.s32 @!p0 $0x0  }
0x12: {  	s1 =	sld [smem:$0x3F98];
	s0 =	simm.s32 @p0 $0x1  }
0x13: {  	[smem:$0x3FB3] =	sst s0;
	s0 =	simm.s32 @!p1 $0x0  }
0x14: {  	s2 =	sld [smem:$0x3F97];
	s0 =	simm.s32 @p1 $0x1  }
0x15: {  	[smem:$0x3FB4] =	sst s0;
	s0 =	simm.s32 @!p2 $0x0  }
0x16: {  	s3 =	sld [smem:$0x3FDB];
	s0 =	simm.s32 @p2 $0x1  }
0x17: {  	s4 =	simm.s32 $0x1BF5;
	[smem:$0x3FB6] =	sst s0  }
0x18: {  	s0 =	sld [smem:$0x3F99];
	_ =	swait.ge [sflag:s4], $0x0  }
0x19: {  	s7 =	sld [smem:$0x3F9A]  }
0x1a: {  	s8 =	sadd.s32 $0xFFFFE003, lr  }
0x1b: {  	s9 =	sadd.s32 $0xFFFFFEF7, lr;
	s5 =	simm.s32 $0xFFFFFFFF;
	p2 =	slt.u32 s8, $0xFFFFF086  }
0x1c: {  	p1 =	slt.u32 s9, $0xF7A;
	s5 =	simm.s32 @!p2 $0x0  }
0x1d: {  	s5 =	simm.s32 @p1 $0x1;
	p0 =	seq.s32 s7, s2  }
0x1e: {  	s7 =	smul.u32 @!p0 $0xF7A, s2;
	p2 =	seq.s32 @!p0 s5, $0x0  }
0x1f: {  	s9 =	smul.u32 $0xF7A, s1;
	s8 =	simm.s32 @!p0 $0x1BF5;
	p2 =	por !p2, p0  }
0x20: {  	[sflag:s8] =	ssyncset.s32 @!p0 $0xFFFFF086;
	s6 =	sadd.s32 @!p0 s3, s7;
	s7 =	simm.s32 @!p0 $0x108  }
0x21: {  	s3 =	sadd.s32 s3, s9;
	s6 =	sadd.s32 @!p0 $0x88, s6;
	s7 =	simm.s32 @p2 $0x1082  }
0x22: {  	[simem:s7], [sflag:s8] =	dma.local @!p0 [hbm:s6], $0xF7A  }
0x23: {  	s9 =	sor.u32 $0xD0000000, s2;
	s6 =	simm.s32 $0x108;
	_ =	swait.ge @!p0 [sflag:s8], $0x0  }
0x24: {  	s3 =	sadd.s32 $0x88, s3;
	s6 =	simm.s32 @!p1 $0x1082;
	[sflag:s4] =	ssyncset.s32 $0xFFFFF086  }
0x25: {  	[simem:s6], [sflag:s4] =	dma.local [hbm:s3], $0xF7A  }
0x26: {  	[smem:$0x3F9A] =	sst s1;
	(tag) =	ssettag s2;
	_ =	strace s9  }
0x27: {  	s1 =	sld [smem:$0x3FAA]  }
0x28: {  	s2 =	sld [smem:$0x3FAB]  }
0x29: {  	s4 =	sld [smem:$0x3FAD]  }
0x2a: {  	p0 =	seq.s32 s5, $0x0;
	s5 =	sld [smem:$0x3FAE]  }
0x2b: {  	s6 =	sld [smem:$0x3FAF]  }
0x2c: {  	s7 =	sld [smem:$0x3FB0]  }
0x2d: {  	s3 =	simm.s32 $0x108;
	s8 =	sld [smem:$0x3FB1]  }
0x2e: {  	s3 =	simm.s32 @!p0 $0x1082;
	s9 =	sld [smem:$0x3FB2]  }
0x2f: {  	lr =	sadd.s32 s0, s3;
	s0 =	sld [smem:$0x3FA9]  }
0x30: {  	s3 =	sld [smem:$0x3FAC]  }
0x31: {  	[smem:$0x3FB5] =	sst s10  }
0x32: {  	s10 =	sld [smem:$0x3FB3];
	_ =	sdelay $0x3  }
0x33: {  	p0 =	seq.s32 s10, $0x1;
	s10 =	sld [smem:$0x3FB5];
	_ =	sdelay $0x3  }
0x34: {  	[smem:$0x3FB5] =	sst s10  }
0x35: {  	s10 =	sld [smem:$0x3FB4];
	_ =	sdelay $0x3  }
0x36: {  	p1 =	seq.s32 s10, $0x1;
	s10 =	sld [smem:$0x3FB5];
	_ =	sdelay $0x3  }
0x37: {  	[smem:$0x3FB5] =	sst s10  }
0x38: {  	s10 =	sld [smem:$0x3FB6]  }
0x39: {  	_ = 	snop;
	(pc) =	sbr.ind lr, $3  }
0x3a: {  	_ = 	snop  }
0x3b: {  	_ = 	snop  }
0x3c: {  	p2 =	seq.s32 s10, $0x1;
	s10 =	sld [smem:$0x3FB5]  }
0x3d: {  	_ =	shalt  }
0x3e: {  	_ =	shalt  }
0x3f: {  	_ =	shalt  }
0x40: {  	_ =	shalt  }
0x41: {  	_ =	shalt  }
0x42: {  	_ =	shalt  }
0x43: {  	_ =	shalt  }
0x44: {  	_ =	shalt  }
0x45: {  	_ =	shalt  }
0x46: {  	_ =	shalt  }
0x47: {  	_ =	shalt  }
0x48: {  	_ =	shalt  }
0x49: {  	_ =	shalt  }
0x4a: {  	_ =	shalt  }
0x4b: {  	_ =	shalt  }
0x4c: {  	_ =	shalt  }
0x4d: {  	_ =	shalt  }
0x4e: {  	_ =	shalt  }
0x4f: {  	_ =	shalt  }
0x50: {  	_ =	shalt  }
0x51: {  	_ =	shalt  }
0x52: {  	_ =	shalt  }
0x53: {  	_ =	shalt  }
0x54: {  	_ =	shalt  }
0x55: {  	_ =	shalt  }
0x56: {  	_ =	shalt  }
0x57: {  	_ =	shalt  }
0x58: {  	_ =	shalt  }
0x59: {  	_ =	shalt  }
0x5a: {  	_ =	shalt  }
0x5b: {  	_ =	shalt  }
0x5c: {  	_ =	shalt  }
0x5d: {  	_ =	shalt  }
0x5e: {  	_ =	shalt  }
0x5f: {  	_ =	shalt  }
0x60: {  	_ =	shalt  }
0x61: {  	_ =	shalt  }
0x62: {  	_ =	shalt  }
0x63: {  	_ =	shalt  }
0x64: {  	_ =	shalt  }
0x65: {  	_ =	shalt  }
0x66: {  	_ =	shalt  }
0x67: {  	_ =	shalt  }
0x68: {  	_ =	shalt  }
0x69: {  	_ =	shalt  }
0x6a: {  	_ =	shalt  }
0x6b: {  	_ =	shalt  }
0x6c: {  	_ =	shalt  }
0x6d: {  	_ =	shalt  }
0x6e: {  	_ =	shalt  }
0x6f: {  	_ =	shalt  }
0x70: {  	_ =	shalt  }
0x71: {  	_ =	shalt  }
0x72: {  	_ =	shalt  }
0x73: {  	_ =	shalt  }
0x74: {  	_ =	shalt  }
0x75: {  	_ =	shalt  }
0x76: {  	_ =	shalt  }
0x77: {  	_ =	shalt  }
0x78: {  	_ =	shalt  }
0x79: {  	_ =	shalt  }
0x7a: {  	_ =	shalt  }
0x7b: {  	_ =	shalt  }
0x7c: {  	_ =	shalt  }
0x7d: {  	_ =	shalt  }
0x7e: {  	_ =	shalt  }
0x7f: {  	_ =	shalt  }
0x80: {  	_ =	shalt  }
0x81: {  	_ =	shalt  }
0x82: {  	_ =	shalt  }
0x83: {  	_ =	shalt  }
0x84: {  	_ =	shalt  }
0x85: {  	_ =	shalt  }
0x86: {  	_ =	shalt  }
0x87: {  	_ =	shalt  }
.Lfunc_end0:
.L_simem_size_0:
called_computation_lowered:
.L_overlay_start_0:
0x88: {  	s2 =	sld [smem:$0x3FD9]  }
0x89: {  	s3 =	sld [smem:$0x3FFE];
	_ =	sdelay $0x1  }
0x8a: {  	s1 =	srdreg.scid  }
0x8b: {  	s0 =	sand.u32 $0x1, s1  }
0x8c: {  	s17 =	sshll.u32 s0, $0xA;
	s2 =	sadd.s32 s3, s2  }
0x8d: {  	s2 =	sadd.s32 s2, s17  }
0x8e: {  	[smem:$0x3FC1] =	sst s2  }
0x8f: {  	_ = 	snop  }
0x90: {  	s2 =	sld [smem:$0x3FC7]  }
0x91: {  	s18 =	sld [smem:$0x3FD0];
	(tm) =	ssettm $0x1  }
0x92: {  	s4 =	sld [smem:$0x3FFB];
	_ =	sdelay $0x3  }
0x93: {  	_ =	strace s4  }
0x94: {  	s4 =	sld [smem:$0x3FFC];
	_ =	sdelay $0x3  }
0x95: {  	_ =	strace s4  }
0x96: {  	s4 =	sld [smem:$0x3FFD];
	_ =	sdelay $0x3  }
0x97: {  	_ =	strace s4  }
0x98: {  	_ =	strace $0x8FFFFFFF  }
0x99: {  	s19 =	sld [smem:$0x3FDB];
	_ =	sdelay $0x1  }
0x9a: {  	s5 =	simm.s32 $_scs_section_size  }
0x9b: {  	s6 =	simm.s32 $_size__tile_overlayer_lowered;
	s7 =	simm.s32 $_tile_overlayer_lowered  }
0x9c: {  	s22 =	simm.s32 $0x1BFF;
	s21 =	sshll.u32 s7, $0x1;
	s4 =	sadd.s32 s5, s19  }
0x9d: {  	s8 =	simm.s32 $0x0;
	s20 =	sshll.u32 s6, $0x1;
	s6 =	sadd.s32 s21, s4  }
0x9e: {  	[timem:s8], [sflag:s22] =	dma.local [hbm:s6], s20  }
0x9f: {  	_ =	swait.ge [sflag:s22], s20  }
0xa0: {  	s5 =	ssub.s32 $0x0, s20;
	[sflag:s22] =	ssyncset.done $0x0  }
0xa1: {  	[sflag:s22] =	ssyncadd.s32 s5;
	_ =	sdelay $0x1  }
0xa2: {  	s23 =	simm.s32 $0x1B8B  }
0xa3: {  	_ =	swait.ge [sflag:s23], $0x1  }
0xa4: {  	[sflag:s23] =	ssyncset.done $0x0  }
0xa5: {  	s25 =	simm.s32 $0x1B8E;
	s24 =	sld [smem:$0x3FFE];
	[sflag:s23] =	ssyncadd.s32 $0xFFFFFFFF  }
0xa6: {  	s26 =	simm.s32 $execute0_lowered;
	[smem:$0x3FD2] =	sst s25  }
0xa7: {  	s6 =	sshll.u32 s26, $0x1;
	_ =	strace $0x80000046;
	[dreg:$0x1] =	wrdreg $0xFFFFFFFF  }
0xa8: {  	s28 =	simm.s32 $_size_execute0_lowered;
	s4 =	sadd.s32 s4, s6;
	[dreg:$0x0] =	wrdreg $0x0  }
0xa9: {  	s6 =	sshll.u32 s28, $0x1;
	[dreg:$0x2] =	wrdreg s4  }
0xaa: {  	[dreg:$0x3] =	wrdreg s6  }
0xab: {  	[dreg:$0x4] =	wrdreg $0xC0  }
0xac: {  	_ =	task [dreg:s8], $0x5FFFF  }
0xad: {  	[dreg:$0x1] =	wrdreg $0xFFFFFFFF  }
0xae: {  	[dreg:$0x0] =	wrdreg $0x60  }
0xaf: {  	[dreg:$0x2] =	wrdreg s24  }
0xb0: {  	[dreg:$0x3] =	wrdreg s2  }
0xb1: {  	[dreg:$0x4] =	wrdreg s18  }
0xb2: {  	[dreg:$0x5] =	wrdreg $0x9  }
0xb3: {  	_ =	task.clear_ibuf [dreg:s8], $0x6FFFF;
	_ =	strace $0x90000046  }
0xb4: {  	s29 =	simm.s32 $0x9;
	_ =	strace $0x80000048  }
0xb5: {  	_ =	swait.ge [sflag:s29], $0x1  }
0xb6: {  	[sflag:s29] =	ssyncadd.s32 $0xFFFFFFFF  }
0xb7: {  	_ =	strace $0x90000048  }
0xb8: {  	_ =	sfence  }
0xb9: {  	s30 =	sld [smem:$0x0];
	_ =	sdelay $0x2  }
0xba: {  	s31 =	sshll.u32 s1, $0xD;
	s1 =	sshrl.u32 s1, $0x2  }
0xbb: {  	s3 =	sand.u32 $0x4000, s31;
	s1 =	sadd.s32 s1, s30  }
0xbc: {  	s0 =	sor.u32 s3, s0;
	s1 =	sshll.u32 s1, $0x11  }
0xbd: {  	s0 =	sor.u32 s1, s0  }
0xbe: {  	s0 =	sadd.s32 $0x8F2B, s0  }
0xbf: {  	[sflag:s0] =	ssyncadd.remote.s32 $0x1  }
0xc0: {  	_ =	sfence.sel $0xFFFF  }
0xc1: {  	[dreg:$0x0] =	wrdreg $0xFFFFFFFF;
	(pc) =	sbr.abs _section_cstart, $3  }
0xc2: {  	[dreg:$0x1] =	wrdreg $0xFFFFFFFF  }
0xc3: {  	_ =	task.clear_ibuf [dreg:s8], $0x2FFFF;
	_ =	strace $0x9FFFFFFF  }
0xc4: {  	(tm) =	ssettm $0x7FFFFFFF  }
0xc5: {  	_ =	shalt  }
tec
execute0_lowered:
.L_overlay_start_1:
0x0: {  	(tag) =	ssettag $0x1  }
0x1: {  	s1 =	rddreg [dreg:$0x0]  }
0x2: {  	s2 =	rddreg [dreg:$0x1];
	s3 =	srdreg.scid  }
0x3: {  	s4 =	rddreg [dreg:$0x2];
	s5 =	sand.u32 $0x1, s3;
	s3 =	simm.s32 $0x0  }
0x4: {  	s20 =	simm.s32 $0x880;
	[smem:$0x7FF] =	sst s3  }
0x5: {  	s21 =	simm.s32 $0x1080;
	_ =	strace $0x80000047;
	[dreg:$0x7] =	wrdreg s20  }
0x6: {  	s0 =	stileid.u32;
	s22 =	simm.s32 $0x1880;
	[dreg:$0x8] =	wrdreg s21  }
0x7: {  	s23 =	simm.s32 $0x2080;
	s24 =	simm.s32 $0x2880;
	[dreg:$0x9] =	wrdreg s22  }
0x8: {  	s25 =	simm.s32 $0x3080;
	s26 =	simm.s32 $0x3880;
	[dreg:$0xa] =	wrdreg s23  }
0x9: {  	s9 =	simm.s32 $0x6880;
	s10 =	simm.s32 $0x7080;
	[dreg:$0xb] =	wrdreg s24  }
0xa: {  	s11 =	simm.s32 $0x7880;
	s13 =	sshll.u32 s0, $0x1;
	[dreg:$0xc] =	wrdreg s25  }
0xb: {  	s6 =	sshll.u32 s0, $0x6;
	s0 =	simm.s32 $0x4080;
	[dreg:$0xd] =	wrdreg s26  }
0xc: {  	s12 =	simm.s32 $0x8080;
	s28 =	simm.s32 $0x17880;
	[dreg:$0xe] =	wrdreg s0  }
0xd: {  	s29 =	simm.s32 $0x1;
	s30 =	simm.s32 $0x2;
	[dreg:$0x13] =	wrdreg s9  }
0xe: {  	s31 =	simm.s32 $0x3;
	s7 =	sor.u32 s5, s13;
	[dreg:$0x14] =	wrdreg s10  }
0xf: {  	s6 =	sand.u32 $0x300, s6;
	s13 =	simm.s32 $0x8880;
	[dreg:$0x15] =	wrdreg s11  }
0x10: {  	s8 =	sshll.u32 s7, $0x4;
	s1 =	sadd.s32 s6, s1;
	[dreg:$0x16] =	wrdreg s12  }
0x11: {  	s15 =	smul.u32 $0x18000, s7;
	s6 =	simm.s32 $0x5080;
	[dreg:$0x17] =	wrdreg s13  }
0x12: {  	s16 =	smul.u32 $0x3000, s7;
	s7 =	simm.s32 $0x5880;
	[dreg:$0x10] =	wrdreg s6  }
0x13: {  	s21 =	simm.s32 $0xB880;
	s22 =	simm.s32 $0xC880;
	[dreg:$0x11] =	wrdreg s7  }
0x14: {  	s23 =	simm.s32 $0xD080;
	s24 =	simm.s32 $0xD880;
	[dreg:$0x1d] =	wrdreg s21  }
0x15: {  	s25 =	simm.s32 $0xE080;
	s26 =	simm.s32 $0xE880;
	[dreg:$0x1e] =	wrdreg s22  }
0x16: {  	s9 =	simm.s32 $0xC080;
	s11 =	simm.s32 $0xF880;
	[dreg:$0x1f] =	wrdreg s23  }
0x17: {  	s12 =	simm.s32 $0x10080;
	s13 =	simm.s32 $0x10880;
	[smem:$0x7FB] =	sst s24  }
0x18: {  	s14 =	sand.u32 $0x70, s8;
	s8 =	simm.s32 $0x6080;
	[smem:$0x7FC] =	sst s25  }
0x19: {  	s7 =	simm.s32 $0x5;
	[smem:$0x7FD] =	sst s26;
	s21 =	simm.s32 $0x14880  }
0x1a: {  	s22 =	simm.s32 $0x15080;
	s23 =	simm.s32 $0x15880;
	s24 =	simm.s32 $0x16080  }
0x1b: {  	s25 =	simm.s32 $0x16880;
	s26 =	simm.s32 $0x17080;
	s1 =	sadd.s32 s14, s1  }
0x1c: {  	s17 =	sshrl.u32 s15, $0x3;
	s18 =	sadd.s32 s4, s16;
	[dreg:$0x12] =	wrdreg s8  }
0x1d: {  	s14 =	simm.s32 $0x9080;
	s15 =	simm.s32 $0x9880;
	[dreg:$0x5] =	wrdreg s18  }
0x1e: {  	s16 =	simm.s32 $0xA080;
	s8 =	simm.s32 $0x80;
	[dreg:$0x18] =	wrdreg s14  }
0x1f: {  	s1 =	sadd.s32 $0x1E00, s1;
	s4 =	sadd.s32 s4, s17;
	[dreg:$0x19] =	wrdreg s15  }
0x20: {  	s17 =	ssub.s32 $0x2, s5;
	[dreg:$0x1a] =	wrdreg s16;
	s18 =	simm.s32 $0xA880  }
0x21: {  	s14 =	simm.s32 $0x11080;
	s15 =	simm.s32 $0x11880;
	[dreg:$0x4] =	wrdreg s1  }
0x22: {  	s16 =	simm.s32 $0x12080;
	s19 =	sadd.s32 $0x1800, s4;
	[dreg:$0x1b] =	wrdreg s18  }
0x23: {  	s4 =	simm.s32 $0x4880;
	s5 =	sshrl.u32 s17, $0x1;
	[dreg:$0x6] =	wrdreg s19  }
0x24: {  	s18 =	simm.s32 $0x13080;
	s1 =	simm.s32 $0x4;
	[dreg:$0xf] =	wrdreg s4  }
0x25: {  	v2 =	vlaneseq.u32;
	s19 =	simm.s32 $0xB080;
	s20 =	ssub.s32 s17, s5;
	s4 =	sadd.s32 $0x100, s2  }
0x26: {  	vm0 =	vmmov $0xffff;
	v1 =	vshrl.u32 v2, $0x3;
	s5 =	sadd.s32 $0x200, s2;
	s17 =	simm.s32 $0x12880;
	[dreg:$0x1c] =	wrdreg s19  }
0x27: {  	v0 =	vand.u32 $0x7, v2;
	v2 =	vor.u32 $0x8, v2;
	v1 =	vmul.u32 $0x8, v1;
	s6 =	smax.u32 s20, $0x1;
	s19 =	simm.s32 $0x13880;
	s20 =	simm.s32 $0x14080  }
.LBB2_1:
0x28: {  	s0 =	rddreg [dreg:$0x4]  }
0x29: {  	[tilespmem:s3], [sflag:$0x5] =	stream.linear.gather [hbm4b:s0+s3], $0x80, $0x38;
	[tilespmem:$0x18080] =	vst v63  }
0x2a: {  	_ =	swait.ge [sflag:s7], $0x80  }
0x2b: {  	[sflag:s7] =	ssyncset.done $0x0  }
0x2c: {  	[sflag:s7] =	ssyncadd.s32 $0xFFFFFF80  }
0x2d: {  	v3 =	vld [tilespmem:$0x0];
	_ =	sdelay $0x4  }
0x2e: {  	v4 =	vshrl.u32 v3, $0x3  }
0x2f: {  	v4 =	vmul.u32 $0x30, v4  }
0x30: {  	v3 =	vand.u32 $0x7, v3  }
0x31: {  	v3 =	vor.u32 v3, v4  }
0x32: {  	v4 =	vperm.xlane v3, v0;
	_ =	sdelay $0x1  }
0x33: {  	v4 =	vadd.s32 v1, v4;
	_ =	sdelay $0x3  }
0x34: {  	v3 =	vperm.xlane v3, v2  }
0x35: {  	[tilespmem:s8], [sflag:$0x1] =	stream.indirect_vreg.gather [hbm4b:s2+s3], $0x80, v4, vm0, $0xb8;
	[tilespmem:$0x18080] =	vst v63  }
0x36: {  	s0 =	rddreg [dreg:$0x7];
	v3 =	vadd.s32 v1, v3  }
0x37: {  	[tilespmem:s0], [sflag:$0x1] =	stream.indirect_vreg.gather [hbm4b:s4+s3], $0x80, v4, vm0, $0xb8;
	[tilespmem:$0x18080] =	vst v63  }
0x38: {  	s10 =	rddreg [dreg:$0x8]  }
0x39: {  	[tilespmem:s10], [sflag:$0x1] =	stream.indirect_vreg.gather [hbm4b:s5+s3], $0x80, v4, vm0, $0xb8;
	[tilespmem:$0x18080] =	vst v63  }
0x3a: {  	s0 =	rddreg [dreg:$0x9]  }
0x3b: {  	[tilespmem:s0], [sflag:$0x1] =	stream.indirect_vreg.gather [hbm4b:s2+s3], $0x80, v3, vm0, $0xb8;
	[tilespmem:$0x18080] =	vst v63  }
0x3c: {  	s10 =	rddreg [dreg:$0xa]  }
0x3d: {  	[tilespmem:s10], [sflag:$0x1] =	stream.indirect_vreg.gather [hbm4b:s4+s3], $0x80, v3, vm0, $0xb8;
	[tilespmem:$0x18080] =	vst v63  }
0x3e: {  	s0 =	rddreg [dreg:$0xb]  }
0x3f: {  	[tilespmem:s0], [sflag:$0x1] =	stream.indirect_vreg.gather [hbm4b:s5+s3], $0x80, v3, vm0, $0xb8;
	[tilespmem:$0x18080] =	vst v63  }
0x40: {  	v3 =	vld [tilespmem:$0x10];
	_ =	sdelay $0x4  }
0x41: {  	v57 =	vshrl.u32 v3, $0x3  }
0x42: {  	v4 =	vmul.u32 $0x30, v57  }
0x43: {  	v3 =	vand.u32 $0x7, v3  }
0x44: {  	v3 =	vor.u32 v3, v4  }
0x45: {  	v4 =	vperm.xlane v3, v0;
	_ =	sdelay $0x1  }
0x46: {  	v4 =	vadd.s32 v1, v4;
	_ =	sdelay $0x3  }
0x47: {  	s0 =	rddreg [dreg:$0xc];
	v3 =	vperm.xlane v3, v2  }
0x48: {  	[tilespmem:s0], [sflag:$0x1] =	stream.indirect_vreg.gather [hbm4b:s2+s3], $0x80, v4, vm0, $0xb8;
	[tilespmem:$0x18080] =	vst v63  }
0x49: {  	s10 =	rddreg [dreg:$0xd];
	v3 =	vadd.s32 v1, v3  }
0x4a: {  	[tilespmem:s10], [sflag:$0x1] =	stream.indirect_vreg.gather [hbm4b:s4+s3], $0x80, v4, vm0, $0xb8;
	[tilespmem:$0x18080] =	vst v63  }
0x4b: {  	s0 =	rddreg [dreg:$0xe]  }
0x4c: {  	[tilespmem:s0], [sflag:$0x1] =	stream.indirect_vreg.gather [hbm4b:s5+s3], $0x80, v4, vm0, $0xb8;
	[tilespmem:$0x18080] =	vst v63  }
0x4d: {  	s10 =	rddreg [dreg:$0xf]  }
0x4e: {  	[tilespmem:s10], [sflag:$0x1] =	stream.indirect_vreg.gather [hbm4b:s2+s3], $0x80, v3, vm0, $0xb8;
	[tilespmem:$0x18080] =	vst v63  }
0x4f: {  	s0 =	rddreg [dreg:$0x10]  }
0x50: {  	[tilespmem:s0], [sflag:$0x1] =	stream.indirect_vreg.gather [hbm4b:s4+s3], $0x80, v3, vm0, $0xb8;
	[tilespmem:$0x18080] =	vst v63  }
0x51: {  	s10 =	rddreg [dreg:$0x11]  }
0x52: {  	[tilespmem:s10], [sflag:$0x1] =	stream.indirect_vreg.gather [hbm4b:s5+s3], $0x80, v3, vm0, $0xb8;
	[tilespmem:$0x18080] =	vst v63  }
0x53: {  	v3 =	vld [tilespmem:$0x20];
	_ =	sdelay $0x4  }
0x54: {  	v58 =	vshrl.u32 v3, $0x3  }
0x55: {  	v4 =	vmul.u32 $0x30, v58  }
0x56: {  	v3 =	vand.u32 $0x7, v3  }
0x57: {  	v3 =	vor.u32 v3, v4  }
0x58: {  	v4 =	vperm.xlane v3, v0;
	_ =	sdelay $0x1  }
0x59: {  	v4 =	vadd.s32 v1, v4;
	_ =	sdelay $0x3  }
0x5a: {  	s0 =	rddreg [dreg:$0x12];
	v3 =	vperm.xlane v3, v2  }
0x5b: {  	[tilespmem:s0], [sflag:$0x1] =	stream.indirect_vreg.gather [hbm4b:s2+s3], $0x80, v4, vm0, $0xb8;
	[tilespmem:$0x18080] =	vst v63  }
0x5c: {  	s10 =	rddreg [dreg:$0x13];
	v3 =	vadd.s32 v1, v3  }
0x5d: {  	[tilespmem:s10], [sflag:$0x1] =	stream.indirect_vreg.gather [hbm4b:s4+s3], $0x80, v4, vm0, $0xb8;
	[tilespmem:$0x18080] =	vst v63  }
0x5e: {  	s0 =	rddreg [dreg:$0x14]  }
0x5f: {  	[tilespmem:s0], [sflag:$0x1] =	stream.indirect_vreg.gather [hbm4b:s5+s3], $0x80, v4, vm0, $0xb8;
	[tilespmem:$0x18080] =	vst v63  }
0x60: {  	s10 =	rddreg [dreg:$0x15]  }
0x61: {  	[tilespmem:s10], [sflag:$0x1] =	stream.indirect_vreg.gather [hbm4b:s2+s3], $0x80, v3, vm0, $0xb8;
	[tilespmem:$0x18080] =	vst v63  }
0x62: {  	s0 =	rddreg [dreg:$0x16]  }
0x63: {  	[tilespmem:s0], [sflag:$0x1] =	stream.indirect_vreg.gather [hbm4b:s4+s3], $0x80, v3, vm0, $0xb8;
	[tilespmem:$0x18080] =	vst v63  }
0x64: {  	s10 =	rddreg [dreg:$0x17]  }
0x65: {  	[tilespmem:s10], [sflag:$0x1] =	stream.indirect_vreg.gather [hbm4b:s5+s3], $0x80, v3, vm0, $0xb8;
	[tilespmem:$0x18080] =	vst v63  }
0x66: {  	v3 =	vld [tilespmem:$0x30];
	_ =	sdelay $0x4  }
0x67: {  	v59 =	vshrl.u32 v3, $0x3  }
0x68: {  	v4 =	vmul.u32 $0x30, v59  }
0x69: {  	v3 =	vand.u32 $0x7, v3  }
0x6a: {  	v3 =	vor.u32 v3, v4  }
0x6b: {  	v4 =	vperm.xlane v3, v0;
	_ =	sdelay $0x1  }
0x6c: {  	v4 =	vadd.s32 v1, v4;
	_ =	sdelay $0x3  }
0x6d: {  	s0 =	rddreg [dreg:$0x18];
	v3 =	vperm.xlane v3, v2  }
0x6e: {  	[tilespmem:s0], [sflag:$0x1] =	stream.indirect_vreg.gather [hbm4b:s2+s3], $0x80, v4, vm0, $0xb8;
	[tilespmem:$0x18080] =	vst v63  }
0x6f: {  	s10 =	rddreg [dreg:$0x19];
	v3 =	vadd.s32 v1, v3  }
0x70: {  	[tilespmem:s10], [sflag:$0x1] =	stream.indirect_vreg.gather [hbm4b:s4+s3], $0x80, v4, vm0, $0xb8;
	[tilespmem:$0x18080] =	vst v63  }
0x71: {  	s0 =	rddreg [dreg:$0x1a]  }
0x72: {  	[tilespmem:s0], [sflag:$0x1] =	stream.indirect_vreg.gather [hbm4b:s5+s3], $0x80, v4, vm0, $0xb8;
	[tilespmem:$0x18080] =	vst v63  }
0x73: {  	s10 =	rddreg [dreg:$0x1b]  }
0x74: {  	[tilespmem:s10], [sflag:$0x1] =	stream.indirect_vreg.gather [hbm4b:s2+s3], $0x80, v3, vm0, $0xb8;
	[tilespmem:$0x18080] =	vst v63  }
0x75: {  	s0 =	rddreg [dreg:$0x1c]  }
0x76: {  	[tilespmem:s0], [sflag:$0x1] =	stream.indirect_vreg.gather [hbm4b:s4+s3], $0x80, v3, vm0, $0xb8;
	[tilespmem:$0x18080] =	vst v63  }
0x77: {  	s10 =	rddreg [dreg:$0x1d]  }
0x78: {  	[tilespmem:s10], [sflag:$0x1] =	stream.indirect_vreg.gather [hbm4b:s5+s3], $0x80, v3, vm0, $0xb8;
	[tilespmem:$0x18080] =	vst v63  }
0x79: {  	v3 =	vld [tilespmem:$0x40];
	_ =	sdelay $0x4  }
0x7a: {  	v60 =	vshrl.u32 v3, $0x3  }
0x7b: {  	v4 =	vmul.u32 $0x30, v60  }
0x7c: {  	v3 =	vand.u32 $0x7, v3  }
0x7d: {  	v3 =	vor.u32 v3, v4  }
0x7e: {  	v4 =	vperm.xlane v3, v0;
	_ =	sdelay $0x1  }
0x7f: {  	v4 =	vadd.s32 v1, v4;
	_ =	sdelay $0x3  }
0x80: {  	s0 =	rddreg [dreg:$0x1e];
	v3 =	vperm.xlane v3, v2  }
0x81: {  	[tilespmem:s9], [sflag:$0x2] =	stream.indirect_vreg.gather [hbm4b:s2+s3], $0x80, v4, vm0, $0xb8;
	[tilespmem:$0x18080] =	vst v63  }
0x82: {  	s10 =	rddreg [dreg:$0x1f];
	v3 =	vadd.s32 v1, v3  }
0x83: {  	[tilespmem:s0], [sflag:$0x2] =	stream.indirect_vreg.gather [hbm4b:s4+s3], $0x80, v4, vm0, $0xb8;
	[tilespmem:$0x18080] =	vst v63  }
0x84: {  	s0 =	sld [smem:$0x7FB]  }
0x85: {  	[tilespmem:s10], [sflag:$0x2] =	stream.indirect_vreg.gather [hbm4b:s5+s3], $0x80, v4, vm0, $0xb8;
	[tilespmem:$0x18080] =	vst v63  }
0x86: {  	s10 =	sld [smem:$0x7FC]  }
0x87: {  	[tilespmem:s0], [sflag:$0x2] =	stream.indirect_vreg.gather [hbm4b:s2+s3], $0x80, v3, vm0, $0xb8;
	[tilespmem:$0x18080] =	vst v63  }
0x88: {  	s0 =	sld [smem:$0x7FD]  }
0x89: {  	[tilespmem:s10], [sflag:$0x2] =	stream.indirect_vreg.gather [hbm4b:s4+s3], $0x80, v3, vm0, $0xb8;
	[tilespmem:$0x18080] =	vst v63  }
0x8a: {  	_ = 	snop  }
0x8b: {  	[tilespmem:s0], [sflag:$0x2] =	stream.indirect_vreg.gather [hbm4b:s5+s3], $0x80, v3, vm0, $0xb8;
	[tilespmem:$0x18080] =	vst v63  }
0x8c: {  	v3 =	vld [tilespmem:$0x50];
	_ =	sdelay $0x4  }
0x8d: {  	v61 =	vshrl.u32 v3, $0x3  }
0x8e: {  	v4 =	vmul.u32 $0x30, v61  }
0x8f: {  	v3 =	vand.u32 $0x7, v3  }
0x90: {  	v3 =	vor.u32 v3, v4  }
0x91: {  	v4 =	vperm.xlane v3, v0;
	_ =	sdelay $0x1  }
0x92: {  	v4 =	vadd.s32 v1, v4;
	_ =	sdelay $0x3  }
0x93: {  	s10 =	simm.s32 $0xF080;
	v3 =	vperm.xlane v3, v2  }
0x94: {  	[tilespmem:s10], [sflag:$0x2] =	stream.indirect_vreg.gather [hbm4b:s2+s3], $0x80, v4, vm0, $0xb8;
	[tilespmem:$0x18080] =	vst v63  }
0x95: {  	v3 =	vadd.s32 v1, v3  }
0x96: {  	[tilespmem:s11], [sflag:$0x2] =	stream.indirect_vreg.gather [hbm4b:s4+s3], $0x80, v4, vm0, $0xb8;
	[tilespmem:$0x18080] =	vst v63  }
0x97: {  	_ = 	snop  }
0x98: {  	[tilespmem:s12], [sflag:$0x2] =	stream.indirect_vreg.gather [hbm4b:s5+s3], $0x80, v4, vm0, $0xb8;
	[tilespmem:$0x18080] =	vst v63  }
0x99: {  	_ = 	snop  }
0x9a: {  	[tilespmem:s13], [sflag:$0x2] =	stream.indirect_vreg.gather [hbm4b:s2+s3], $0x80, v3, vm0, $0xb8;
	[tilespmem:$0x18080] =	vst v63  }
0x9b: {  	_ = 	snop  }
0x9c: {  	[tilespmem:s14], [sflag:$0x2] =	stream.indirect_vreg.gather [hbm4b:s4+s3], $0x80, v3, vm0, $0xb8;
	[tilespmem:$0x18080] =	vst v63  }
0x9d: {  	_ = 	snop  }
0x9e: {  	[tilespmem:s15], [sflag:$0x2] =	stream.indirect_vreg.gather [hbm4b:s5+s3], $0x80, v3, vm0, $0xb8;
	[tilespmem:$0x18080] =	vst v63  }
0x9f: {  	v3 =	vld [tilespmem:$0x60];
	_ =	sdelay $0x4  }
0xa0: {  	v62 =	vshrl.u32 v3, $0x3  }
0xa1: {  	v4 =	vmul.u32 $0x30, v62  }
0xa2: {  	v3 =	vand.u32 $0x7, v3  }
0xa3: {  	v3 =	vor.u32 v3, v4  }
0xa4: {  	v4 =	vperm.xlane v3, v0;
	_ =	sdelay $0x1  }
0xa5: {  	v4 =	vadd.s32 v1, v4;
	_ =	sdelay $0x3  }
0xa6: {  	v3 =	vperm.xlane v3, v2  }
0xa7: {  	[tilespmem:s16], [sflag:$0x2] =	stream.indirect_vreg.gather [hbm4b:s2+s3], $0x80, v4, vm0, $0xb8;
	[tilespmem:$0x18080] =	vst v63  }
0xa8: {  	v3 =	vadd.s32 v1, v3  }
0xa9: {  	[tilespmem:s17], [sflag:$0x2] =	stream.indirect_vreg.gather [hbm4b:s4+s3], $0x80, v4, vm0, $0xb8;
	[tilespmem:$0x18080] =	vst v63  }
0xaa: {  	_ = 	snop  }
0xab: {  	[tilespmem:s18], [sflag:$0x2] =	stream.indirect_vreg.gather [hbm4b:s5+s3], $0x80, v4, vm0, $0xb8;
	[tilespmem:$0x18080] =	vst v63  }
0xac: {  	_ = 	snop  }
0xad: {  	[tilespmem:s19], [sflag:$0x2] =	stream.indirect_vreg.gather [hbm4b:s2+s3], $0x80, v3, vm0, $0xb8;
	[tilespmem:$0x18080] =	vst v63  }
0xae: {  	_ = 	snop  }
0xaf: {  	[tilespmem:s20], [sflag:$0x2] =	stream.indirect_vreg.gather [hbm4b:s4+s3], $0x80, v3, vm0, $0xb8;
	[tilespmem:$0x18080] =	vst v63  }
0xb0: {  	_ = 	snop  }
0xb1: {  	[tilespmem:s21], [sflag:$0x2] =	stream.indirect_vreg.gather [hbm4b:s5+s3], $0x80, v3, vm0, $0xb8;
	[tilespmem:$0x18080] =	vst v63  }
0xb2: {  	v3 =	vld [tilespmem:$0x70];
	_ =	sdelay $0x4  }
0xb3: {  	v63 =	vshrl.u32 v3, $0x3  }
0xb4: {  	v4 =	vmul.u32 $0x30, v63  }
0xb5: {  	v3 =	vand.u32 $0x7, v3  }
0xb6: {  	v3 =	vor.u32 v3, v4  }
0xb7: {  	v4 =	vperm.xlane v3, v0;
	_ =	sdelay $0x1  }
0xb8: {  	v4 =	vadd.s32 v1, v4;
	_ =	sdelay $0x3  }
0xb9: {  	v3 =	vperm.xlane v3, v2  }
0xba: {  	[tilespmem:s22], [sflag:$0x2] =	stream.indirect_vreg.gather [hbm4b:s2+s3], $0x80, v4, vm0, $0xb8;
	[tilespmem:$0x18080] =	vst v63  }
0xbb: {  	v3 =	vadd.s32 v1, v3  }
0xbc: {  	[tilespmem:s23], [sflag:$0x2] =	stream.indirect_vreg.gather [hbm4b:s4+s3], $0x80, v4, vm0, $0xb8;
	[tilespmem:$0x18080] =	vst v63  }
0xbd: {  	_ = 	snop  }
0xbe: {  	[tilespmem:s24], [sflag:$0x2] =	stream.indirect_vreg.gather [hbm4b:s5+s3], $0x80, v4, vm0, $0xb8;
	[tilespmem:$0x18080] =	vst v63  }
0xbf: {  	_ = 	snop  }
0xc0: {  	[tilespmem:s25], [sflag:$0x2] =	stream.indirect_vreg.gather [hbm4b:s2+s3], $0x80, v3, vm0, $0xb8;
	[tilespmem:$0x18080] =	vst v63  }
0xc1: {  	_ = 	snop  }
0xc2: {  	[tilespmem:s26], [sflag:$0x2] =	stream.indirect_vreg.gather [hbm4b:s4+s3], $0x80, v3, vm0, $0xb8;
	[tilespmem:$0x18080] =	vst v63  }
0xc3: {  	_ = 	snop  }
0xc4: {  	[tilespmem:s28], [sflag:$0x2] =	stream.indirect_vreg.gather [hbm4b:s5+s3], $0x80, v3, vm0, $0xb8;
	[tilespmem:$0x18080] =	vst v63  }
0xc5: {  	_ =	swait.ge [sflag:s29], $0xC000  }
0xc6: {  	[sflag:s29] =	ssyncset.done $0x0  }
0xc7: {  	s10 =	rddreg [dreg:$0x5];
	[sflag:s29] =	ssyncadd.s32 $0xFFFF4000  }
0xc8: {  	[hbm4b:s10+s3] =	stream.linear.scatter [tilespmem:s8], [sflag:$0x3], $0xC000, $0x38;
	[tilespmem:$0x18080] =	vst v63  }
0xc9: {  	_ =	swait.ge [sflag:s30], $0xC000  }
0xca: {  	[sflag:s30] =	ssyncset.done $0x0  }
0xcb: {  	s10 =	rddreg [dreg:$0x6];
	[sflag:s30] =	ssyncadd.s32 $0xFFFF4000  }
0xcc: {  	[hbm4b:s10+s3] =	stream.linear.scatter [tilespmem:s9], [sflag:$0x4], $0xC000, $0x38;
	[tilespmem:$0x18080] =	vst v63  }
0xcd: {  	p0 =	sne.s32 s6, $0x1;
	_ =	swait.ge [sflag:s31], $0xC000  }
.Ltmp0:
0xce: {  	[sflag:s31] =	ssyncset.done $0x0;
	(pc) =	sbr.rel @p0 .LBB2_1-.Ltmp0, $4  }
0xcf: {  	[sflag:s31] =	ssyncadd.s32 $0xFFFF4000  }
0xd0: {  	_ =	swait.ge [sflag:s1], $0xC000  }
0xd1: {  	[sflag:s1] =	ssyncset.done $0x0  }
0xd2: {  	s6 =	sadd.s32 $0xFFFFFFFF, s6;
	[sflag:s1] =	ssyncadd.s32 $0xFFFF4000  }
0xd3: {  	_ =	sfence.sel $0x180000  }
0xd4: {  	[bflag:$0x0] =	sbarrier.arrive $0xFFFF  }
0xd5: {  	_ =	strace $0x90000047  }
0xd6: {  	s0 =	stileid.u32;
	[bflag:$0x2] =	sbarrier.arrive $0xFFFF  }
0xd7: {  	p0 =	sne.s32 s0, $0x0;
	s0 =	rddreg [dreg:$0x3]  }
0xd8: {  	s0 =	sadd.s32 @!p0 $0x100000, s0  }
0xd9: {  	[sflag:s0] =	ssyncadd.tile.s32 @!p0 $0x1;
	_ =	shalt  }
.Lfunc_end2:
_tile_overlayer_lowered:
.L_overlay_start_2:
0xda: {  	(tag) =	ssettag $0x2  }
0xdb: {  	s0 =	rddreg [dreg:$0x0];
	s2 =	stileid.u32  }
0xdc: {  	s1 =	rddreg [dreg:$0x1];
	p0 =	sne.s32 s2, $0x0  }
0xdd: {  	s3 =	rddreg [dreg:$0x2];
	[bflag:$0x3] =	sbarrier.arrive $0xFFFF;
	s2 =	simm.s32 @!p0 $0x1C05  }
0xde: {  	[timem:s3], [sflag:s2] =	dma.local @!p0 [hbm:s0], s1  }
0xdf: {  	s0 =	simm.s32 @!p0 $0x5  }
0xe0: {  	_ =	swait.ge @!p0 [sflag:s0], s1  }
0xe1: {  	s1 =	ssub.s32 @!p0 $0x0, s1;
	[sflag:s0] =	ssyncset.done @!p0 $0x0  }
0xe2: {  	[sflag:s0] =	ssyncadd.s32 @!p0 s1  }
0xe3: {  	[bflag:$0x3] =	sbarrier.arrive $0xFFFF  }
0xe4: {  	_ =	shalt  }

</sc_bundles>
